<compile_context>
chip_gen: v7x
topology: tpu7x:2x2x1
jax: 0.10.2.dev20260603
libtpu: 0.0.44.dev20260713+nightly
codegen_flags: <defaults>
</compile_context>

<pallas_src>
import functools

import jax
import jax.numpy as jnp
from jax import lax
from jax.experimental import pallas as pl
from jax.experimental.pallas import tpu as pltpu
from jax.experimental.pallas import tpu_sc as plsc

BATCH = 16384
DIM = 128
CHUNK = 128


@functools.cache
def _build():
    info = plsc.get_sparse_core_info()
    nc, ns = info.num_cores, info.num_subcores
    nw = nc * ns
    b_per_w = BATCH // nw
    ch = b_per_w // CHUNK

    mesh = plsc.VectorSubcoreMesh(core_axis_name="c", subcore_axis_name="s")

    @functools.partial(
        pl.kernel,
        mesh=mesh,
        out_type=(
            jax.ShapeDtypeStruct((BATCH, DIM), jnp.float32),
            jax.ShapeDtypeStruct((BATCH, DIM), jnp.float32),
            jax.ShapeDtypeStruct((BATCH, DIM), jnp.float32),
        ),
        scratch_types=[
            pltpu.VMEM((ch, CHUNK), jnp.int32),
            pltpu.VMEM((ch, CHUNK), jnp.int32),
            pltpu.VMEM((b_per_w, DIM), jnp.float32),
            pltpu.VMEM((2, CHUNK, DIM), jnp.float32),
            pltpu.SemaphoreType.DMA,
            pltpu.SemaphoreType.DMA,
            pltpu.SemaphoreType.DMA,
            pltpu.SemaphoreType.DMA,
            pltpu.SemaphoreType.DMA,
            pltpu.SemaphoreType.DMA,
            pltpu.SemaphoreType.DMA,
            pltpu.SemaphoreType.DMA,
        ],
    )
    def emb(uids_hbm, iids_hbm, utab_hbm, itab_hbm,
            uout_a_hbm, uout_b_hbm, iout_hbm,
            uidx_v, iidx_v, urows_v, irows_v,
            isem, gu, gi0, gi1, wua, wub, wi0, wi1):
        wid = lax.axis_index("c") * ns + lax.axis_index("s")
        rbase = wid * ch
        obase = wid * b_per_w

        ih_u = pltpu.async_copy(uids_hbm.at[pl.ds(rbase, ch)], uidx_v, isem)
        ih_i = pltpu.async_copy(iids_hbm.at[pl.ds(rbase, ch)], iidx_v, isem)

        gisems = (gi0, gi1)
        wisems = (wi0, wi1)

        ih_u.wait()
        ug = [pltpu.async_copy(utab_hbm.at[uidx_v.at[j]],
                               urows_v.at[pl.ds(j * CHUNK, CHUNK)], gu)
              for j in range(ch)]
        ih_i.wait()
        ig = {j: pltpu.async_copy(itab_hbm.at[iidx_v.at[j]],
                                  irows_v.at[j % 2], gisems[j % 2])
              for j in range(2)}

        iwb = {}

        def item_writeback(j):
            sl = pl.ds(obase + j * CHUNK, CHUNK)
            iwb[j] = pltpu.async_copy(irows_v.at[j % 2], iout_hbm.at[sl],
                                      wisems[j % 2])

        ig[0].wait()
        item_writeback(0)
        ig[1].wait()
        item_writeback(1)

        for h in ug:
            h.wait()
        osl = pl.ds(obase, b_per_w)
        uwa = pltpu.async_copy(urows_v, uout_a_hbm.at[osl], wua)
        uwb = pltpu.async_copy(urows_v, uout_b_hbm.at[osl], wub)

        for j in range(2, ch):
            iwb[j - 2].wait()
            ig[j] = pltpu.async_copy(itab_hbm.at[iidx_v.at[j]],
                                     irows_v.at[j % 2], gisems[j % 2])
        for j in range(2, ch):
            ig[j].wait()
            item_writeback(j)

        uwa.wait()
        uwb.wait()
        for j in range(ch - 2, ch):
            iwb[j].wait()

    return emb


def kernel(user_ids, item_ids, user_table, item_table):
    uids = user_ids.astype(jnp.int32).reshape(BATCH // CHUNK, CHUNK)
    iids = item_ids.astype(jnp.int32).reshape(BATCH // CHUNK, CHUNK)
    return _build()(uids, iids, user_table, item_table)

# --- scband reference (transcript-rebuilt; emitter-appended) ---
"""Pipeline reference for scband-embedding-encoder-48275432407742 (READ-ONLY COPY).

The authoritative reference and input builder live on the scoring server;
editing this copy changes nothing except your own understanding.
"""

import jax, jax.numpy as jnp
import numpy as np

NUM_USERS = 1000000
NUM_ITEMS = 100000
DIM = 128
BATCH = 16384
GRAPH_DOMAINS = ("domain_a", "domain_b")


def setup_inputs(seed: int = 0) -> dict:
    key = jax.random.key(seed)
    k1, k2, k3, k4 = jax.random.split(key, 4)
    user_ids = jax.random.randint(k1, (BATCH,), 0, NUM_USERS, dtype=jnp.int64 if jax.config.jax_enable_x64 else jnp.int32)
    item_ids = jax.random.randint(k2, (BATCH,), 0, NUM_ITEMS, dtype=jnp.int64 if jax.config.jax_enable_x64 else jnp.int32)
    # Learned embedding tables, init normal(std=0.01) per the original module.
    user_table = jax.random.normal(k3, (NUM_USERS, DIM), dtype=jnp.float32) * 0.01
    item_table = jax.random.normal(k4, (NUM_ITEMS, DIM), dtype=jnp.float32) * 0.01
    return {"user_ids": user_ids, "item_ids": item_ids, "user_table": user_table, "item_table": item_table}


def reference(user_ids, item_ids, user_table, item_table):
    # Faithful translation: the 'user' embedding table is SHARED across graph
    # domains (the torch code registers the same nn.Embedding under each
    # 'user_<domain>' key), so we look it up once per domain. Other node
    # types ('item' here) have their own table.
    outs = []
    for _domain in GRAPH_DOMAINS:
        outs.append(jnp.take(user_table, user_ids, axis=0))  # user_<domain>
    outs.append(jnp.take(item_table, item_ids, axis=0))      # item
    return tuple(outs)

if __name__ == "__main__":
    import jax
    _d = setup_inputs()
    print(jax.jit(kernel)(*tuple(_d.values())))

</pallas_src>

<mosaic_0001>
#map = affine_map<(d0, d1) -> (0, 0)>
module attributes {stable_mosaic.version = 14 : i64} {
  func.func @emb(%arg0: i32, %arg1: i32, %arg2: memref<128x128xi32, #tpu.memory_space<hbm>>, %arg3: memref<128x128xi32, #tpu.memory_space<hbm>>, %arg4: memref<1000000x128xf32, #tpu.memory_space<hbm>>, %arg5: memref<100000x128xf32, #tpu.memory_space<hbm>>, %arg6: memref<16384x128xf32, #tpu.memory_space<hbm>>, %arg7: memref<16384x128xf32, #tpu.memory_space<hbm>>, %arg8: memref<16384x128xf32, #tpu.memory_space<hbm>>, %arg9: memref<4x128xi32, #tpu.memory_space<vmem>>, %arg10: memref<4x128xi32, #tpu.memory_space<vmem>>, %arg11: memref<512x128xf32, #tpu.memory_space<vmem>>, %arg12: memref<2x128x128xf32, #tpu.memory_space<vmem>>, %arg13: memref<!tpu.dma_semaphore, #tpu.memory_space<semaphore_mem>>, %arg14: memref<!tpu.dma_semaphore, #tpu.memory_space<semaphore_mem>>, %arg15: memref<!tpu.dma_semaphore, #tpu.memory_space<semaphore_mem>>, %arg16: memref<!tpu.dma_semaphore, #tpu.memory_space<semaphore_mem>>, %arg17: memref<!tpu.dma_semaphore, #tpu.memory_space<semaphore_mem>>, %arg18: memref<!tpu.dma_semaphore, #tpu.memory_space<semaphore_mem>>, %arg19: memref<!tpu.dma_semaphore, #tpu.memory_space<semaphore_mem>>, %arg20: memref<!tpu.dma_semaphore, #tpu.memory_space<semaphore_mem>>) attributes {dimension_semantics = [#tpu.dimension_semantics<core_parallel>, #tpu.dimension_semantics<subcore_parallel>], iteration_bounds = array<i64: 2, 16>, scalar_prefetch = 0 : i64, scratch_operands = 12 : i64, tpu.core_type = #tpu.core_type<sc_vector_subcore>, window_params = [{transform_indices = #map}, {transform_indices = #map}, {transform_indices = #map}, {transform_indices = #map}, {transform_indices = #map}, {transform_indices = #map}, {transform_indices = #map}]} {
    %mul3A = arith.constant 16 : i32
    %mul3A_0 = arith.muli %arg0, %mul3A : i32
    %add3A = arith.addi %mul3A_0, %arg1 : i32
    %mul3A_1 = arith.constant 4 : i32
    %mul3A_2 = arith.muli %add3A, %mul3A_1 : i32
    %mul3A_3 = arith.constant 512 : i32
    %mul3A_4 = arith.muli %add3A, %mul3A_3 : i32
    %dma_start3A = arith.constant 0 : i32
    %dma_start3A_5 = tpu.memref_slice %arg2[%mul3A_2, %dma_start3A] : memref<128x128xi32, #tpu.memory_space<hbm>> -> memref<4x128xi32, #tpu.memory_space<hbm>>
    %dma_start3A_6 = arith.constant 0 : i32
    %dma_start3A_7 = tpu.memref_slice %arg2[%mul3A_2, %dma_start3A_6] : memref<128x128xi32, #tpu.memory_space<hbm>> -> memref<4x128xi32, #tpu.memory_space<hbm>>
    tpu.enqueue_dma source(%dma_start3A_7 : memref<4x128xi32, #tpu.memory_space<hbm>>) target(%arg9 : memref<4x128xi32, #tpu.memory_space<vmem>>) target_semaphore(%arg13 : memref<!tpu.dma_semaphore, #tpu.memory_space<semaphore_mem>>)
    %dma_start3A_8 = arith.constant 0 : i32
    %dma_start3A_9 = tpu.memref_slice %arg3[%mul3A_2, %dma_start3A_8] : memref<128x128xi32, #tpu.memory_space<hbm>> -> memref<4x128xi32, #tpu.memory_space<hbm>>
    %dma_start3A_10 = arith.constant 0 : i32
    %dma_start3A_11 = tpu.memref_slice %arg3[%mul3A_2, %dma_start3A_10] : memref<128x128xi32, #tpu.memory_space<hbm>> -> memref<4x128xi32, #tpu.memory_space<hbm>>
    tpu.enqueue_dma source(%dma_start3A_11 : memref<4x128xi32, #tpu.memory_space<hbm>>) target(%arg10 : memref<4x128xi32, #tpu.memory_space<vmem>>) target_semaphore(%arg13 : memref<!tpu.dma_semaphore, #tpu.memory_space<semaphore_mem>>)
    %dma_wait3A = arith.constant 0 : i32
    %dma_wait3A_12 = tpu.memref_slice %arg2[%mul3A_2, %dma_wait3A] : memref<128x128xi32, #tpu.memory_space<hbm>> -> memref<4x128xi32, #tpu.memory_space<hbm>>
    %dma_wait3A_13 = arith.constant 0 : i32
    %dma_wait3A_14 = tpu.memref_slice %arg2[%mul3A_2, %dma_wait3A_13] : memref<128x128xi32, #tpu.memory_space<hbm>> -> memref<4x128xi32, #tpu.memory_space<hbm>>
    tpu.wait_dma2 semaphore(%arg13 : memref<!tpu.dma_semaphore, #tpu.memory_space<semaphore_mem>>) src(%dma_wait3A_14 : memref<4x128xi32, #tpu.memory_space<hbm>>) dst(%arg9 : memref<4x128xi32, #tpu.memory_space<vmem>>)
    %dma_start3A_15 = arith.constant 0 : i32
    %dma_start3A_16 = arith.constant 0 : i32
    %dma_start3A_17 = arith.constant 0 : i32
    %dma_start3A_18 = tpu.memref_slice %arg11[%dma_start3A_16, %dma_start3A_17] : memref<512x128xf32, #tpu.memory_space<vmem>> -> memref<128x128xf32, #tpu.memory_space<vmem>>
    %dma_start3A_19 = arith.constant 0 : i32
    %dma_start3A_20 = tpu.memref_slice %arg9[%dma_start3A_15, %dma_start3A_19] : memref<4x128xi32, #tpu.memory_space<vmem>> -> memref<1x128xi32, #tpu.memory_space<vmem>>
    %dma_start3A_21 = tpu.memref_squeeze %dma_start3A_20 : memref<1x128xi32, #tpu.memory_space<vmem>> -> memref<128xi32, #tpu.memory_space<vmem>>
    %dma_start3A_22 = arith.constant 0 : i32
    %dma_start3A_23 = arith.constant 0 : i32
    %dma_start3A_24 = tpu.memref_slice %arg4[%dma_start3A_22, %dma_start3A_23] : memref<1000000x128xf32, #tpu.memory_space<hbm>> -> memref<1000000x128xf32, #tpu.memory_space<hbm>>
    tpu.enqueue_indirect_dma source(%dma_start3A_24 : memref<1000000x128xf32, #tpu.memory_space<hbm>>) target(%dma_start3A_18 : memref<128x128xf32, #tpu.memory_space<vmem>>) offsets(%dma_start3A_21 : memref<128xi32, #tpu.memory_space<vmem>>) semaphore(%arg14 : memref<!tpu.dma_semaphore, #tpu.memory_space<semaphore_mem>>)
    %dma_start3A_25 = arith.constant 1 : i32
    %dma_start3A_26 = arith.constant 128 : i32
    %dma_start3A_27 = arith.constant 0 : i32
    %dma_start3A_28 = tpu.memref_slice %arg11[%dma_start3A_26, %dma_start3A_27] : memref<512x128xf32, #tpu.memory_space<vmem>> -> memref<128x128xf32, #tpu.memory_space<vmem>>
    %dma_start3A_29 = arith.constant 0 : i32
    %dma_start3A_30 = tpu.memref_slice %arg9[%dma_start3A_25, %dma_start3A_29] : memref<4x128xi32, #tpu.memory_space<vmem>> -> memref<1x128xi32, #tpu.memory_space<vmem>>
    %dma_start3A_31 = tpu.memref_squeeze %dma_start3A_30 : memref<1x128xi32, #tpu.memory_space<vmem>> -> memref<128xi32, #tpu.memory_space<vmem>>
    %dma_start3A_32 = arith.constant 0 : i32
    %dma_start3A_33 = arith.constant 0 : i32
    %dma_start3A_34 = tpu.memref_slice %arg4[%dma_start3A_32, %dma_start3A_33] : memref<1000000x128xf32, #tpu.memory_space<hbm>> -> memref<1000000x128xf32, #tpu.memory_space<hbm>>
    tpu.enqueue_indirect_dma source(%dma_start3A_34 : memref<1000000x128xf32, #tpu.memory_space<hbm>>) target(%dma_start3A_28 : memref<128x128xf32, #tpu.memory_space<vmem>>) offsets(%dma_start3A_31 : memref<128xi32, #tpu.memory_space<vmem>>) semaphore(%arg14 : memref<!tpu.dma_semaphore, #tpu.memory_space<semaphore_mem>>)
    %dma_start3A_35 = arith.constant 2 : i32
    %dma_start3A_36 = arith.constant 256 : i32
    %dma_start3A_37 = arith.constant 0 : i32
    %dma_start3A_38 = tpu.memref_slice %arg11[%dma_start3A_36, %dma_start3A_37] : memref<512x128xf32, #tpu.memory_space<vmem>> -> memref<128x128xf32, #tpu.memory_space<vmem>>
    %dma_start3A_39 = arith.constant 0 : i32
    %dma_start3A_40 = tpu.memref_slice %arg9[%dma_start3A_35, %dma_start3A_39] : memref<4x128xi32, #tpu.memory_space<vmem>> -> memref<1x128xi32, #tpu.memory_space<vmem>>
    %dma_start3A_41 = tpu.memref_squeeze %dma_start3A_40 : memref<1x128xi32, #tpu.memory_space<vmem>> -> memref<128xi32, #tpu.memory_space<vmem>>
    %dma_start3A_42 = arith.constant 0 : i32
    %dma_start3A_43 = arith.constant 0 : i32
    %dma_start3A_44 = tpu.memref_slice %arg4[%dma_start3A_42, %dma_start3A_43] : memref<1000000x128xf32, #tpu.memory_space<hbm>> -> memref<1000000x128xf32, #tpu.memory_space<hbm>>
    tpu.enqueue_indirect_dma source(%dma_start3A_44 : memref<1000000x128xf32, #tpu.memory_space<hbm>>) target(%dma_start3A_38 : memref<128x128xf32, #tpu.memory_space<vmem>>) offsets(%dma_start3A_41 : memref<128xi32, #tpu.memory_space<vmem>>) semaphore(%arg14 : memref<!tpu.dma_semaphore, #tpu.memory_space<semaphore_mem>>)
    %dma_start3A_45 = arith.constant 3 : i32
    %dma_start3A_46 = arith.constant 384 : i32
    %dma_start3A_47 = arith.constant 0 : i32
    %dma_start3A_48 = tpu.memref_slice %arg11[%dma_start3A_46, %dma_start3A_47] : memref<512x128xf32, #tpu.memory_space<vmem>> -> memref<128x128xf32, #tpu.memory_space<vmem>>
    %dma_start3A_49 = arith.constant 0 : i32
    %dma_start3A_50 = tpu.memref_slice %arg9[%dma_start3A_45, %dma_start3A_49] : memref<4x128xi32, #tpu.memory_space<vmem>> -> memref<1x128xi32, #tpu.memory_space<vmem>>
    %dma_start3A_51 = tpu.memref_squeeze %dma_start3A_50 : memref<1x128xi32, #tpu.memory_space<vmem>> -> memref<128xi32, #tpu.memory_space<vmem>>
    %dma_start3A_52 = arith.constant 0 : i32
    %dma_start3A_53 = arith.constant 0 : i32
    %dma_start3A_54 = tpu.memref_slice %arg4[%dma_start3A_52, %dma_start3A_53] : memref<1000000x128xf32, #tpu.memory_space<hbm>> -> memref<1000000x128xf32, #tpu.memory_space<hbm>>
    tpu.enqueue_indirect_dma source(%dma_start3A_54 : memref<1000000x128xf32, #tpu.memory_space<hbm>>) target(%dma_start3A_48 : memref<128x128xf32, #tpu.memory_space<vmem>>) offsets(%dma_start3A_51 : memref<128xi32, #tpu.memory_space<vmem>>) semaphore(%arg14 : memref<!tpu.dma_semaphore, #tpu.memory_space<semaphore_mem>>)
    %dma_wait3A_55 = arith.constant 0 : i32
    %dma_wait3A_56 = tpu.memref_slice %arg3[%mul3A_2, %dma_wait3A_55] : memref<128x128xi32, #tpu.memory_space<hbm>> -> memref<4x128xi32, #tpu.memory_space<hbm>>
    %dma_wait3A_57 = arith.constant 0 : i32
    %dma_wait3A_58 = tpu.memref_slice %arg3[%mul3A_2, %dma_wait3A_57] : memref<128x128xi32, #tpu.memory_space<hbm>> -> memref<4x128xi32, #tpu.memory_space<hbm>>
    tpu.wait_dma2 semaphore(%arg13 : memref<!tpu.dma_semaphore, #tpu.memory_space<semaphore_mem>>) src(%dma_wait3A_58 : memref<4x128xi32, #tpu.memory_space<hbm>>) dst(%arg10 : memref<4x128xi32, #tpu.memory_space<vmem>>)
    %dma_start3A_59 = arith.constant 0 : i32
    %dma_start3A_60 = arith.constant 0 : i32
    %dma_start3A_61 = arith.constant 0 : i32
    %dma_start3A_62 = arith.constant 0 : i32
    %dma_start3A_63 = tpu.memref_slice %arg12[%dma_start3A_60, %dma_start3A_61, %dma_start3A_62] : memref<2x128x128xf32, #tpu.memory_space<vmem>> -> memref<1x128x128xf32, #tpu.memory_space<vmem>>
    %dma_start3A_64 = tpu.memref_squeeze %dma_start3A_63 : memref<1x128x128xf32, #tpu.memory_space<vmem>> -> memref<128x128xf32, #tpu.memory_space<vmem>>
    %dma_start3A_65 = arith.constant 0 : i32
    %dma_start3A_66 = tpu.memref_slice %arg10[%dma_start3A_59, %dma_start3A_65] : memref<4x128xi32, #tpu.memory_space<vmem>> -> memref<1x128xi32, #tpu.memory_space<vmem>>
    %dma_start3A_67 = tpu.memref_squeeze %dma_start3A_66 : memref<1x128xi32, #tpu.memory_space<vmem>> -> memref<128xi32, #tpu.memory_space<vmem>>
    %dma_start3A_68 = arith.constant 0 : i32
    %dma_start3A_69 = arith.constant 0 : i32
    %dma_start3A_70 = tpu.memref_slice %arg5[%dma_start3A_68, %dma_start3A_69] : memref<100000x128xf32, #tpu.memory_space<hbm>> -> memref<100000x128xf32, #tpu.memory_space<hbm>>
    tpu.enqueue_indirect_dma source(%dma_start3A_70 : memref<100000x128xf32, #tpu.memory_space<hbm>>) target(%dma_start3A_64 : memref<128x128xf32, #tpu.memory_space<vmem>>) offsets(%dma_start3A_67 : memref<128xi32, #tpu.memory_space<vmem>>) semaphore(%arg15 : memref<!tpu.dma_semaphore, #tpu.memory_space<semaphore_mem>>)
    %dma_start3A_71 = arith.constant 1 : i32
    %dma_start3A_72 = arith.constant 1 : i32
    %dma_start3A_73 = arith.constant 0 : i32
    %dma_start3A_74 = arith.constant 0 : i32
    %dma_start3A_75 = tpu.memref_slice %arg12[%dma_start3A_72, %dma_start3A_73, %dma_start3A_74] : memref<2x128x128xf32, #tpu.memory_space<vmem>> -> memref<1x128x128xf32, #tpu.memory_space<vmem>>
    %dma_start3A_76 = tpu.memref_squeeze %dma_start3A_75 : memref<1x128x128xf32, #tpu.memory_space<vmem>> -> memref<128x128xf32, #tpu.memory_space<vmem>>
    %dma_start3A_77 = arith.constant 0 : i32
    %dma_start3A_78 = tpu.memref_slice %arg10[%dma_start3A_71, %dma_start3A_77] : memref<4x128xi32, #tpu.memory_space<vmem>> -> memref<1x128xi32, #tpu.memory_space<vmem>>
    %dma_start3A_79 = tpu.memref_squeeze %dma_start3A_78 : memref<1x128xi32, #tpu.memory_space<vmem>> -> memref<128xi32, #tpu.memory_space<vmem>>
    %dma_start3A_80 = arith.constant 0 : i32
    %dma_start3A_81 = arith.constant 0 : i32
    %dma_start3A_82 = tpu.memref_slice %arg5[%dma_start3A_80, %dma_start3A_81] : memref<100000x128xf32, #tpu.memory_space<hbm>> -> memref<100000x128xf32, #tpu.memory_space<hbm>>
    tpu.enqueue_indirect_dma source(%dma_start3A_82 : memref<100000x128xf32, #tpu.memory_space<hbm>>) target(%dma_start3A_76 : memref<128x128xf32, #tpu.memory_space<vmem>>) offsets(%dma_start3A_79 : memref<128xi32, #tpu.memory_space<vmem>>) semaphore(%arg16 : memref<!tpu.dma_semaphore, #tpu.memory_space<semaphore_mem>>)
    %dma_wait3A_83 = arith.constant 0 : i32
    %dma_wait3A_84 = arith.constant 0 : i32
    %dma_wait3A_85 = arith.constant 0 : i32
    %dma_wait3A_86 = arith.constant 0 : i32
    %dma_wait3A_87 = tpu.memref_slice %arg12[%dma_wait3A_84, %dma_wait3A_85, %dma_wait3A_86] : memref<2x128x128xf32, #tpu.memory_space<vmem>> -> memref<1x128x128xf32, #tpu.memory_space<vmem>>
    %dma_wait3A_88 = tpu.memref_squeeze %dma_wait3A_87 : memref<1x128x128xf32, #tpu.memory_space<vmem>> -> memref<128x128xf32, #tpu.memory_space<vmem>>
    %dma_wait3A_89 = arith.constant 0 : i32
    %dma_wait3A_90 = tpu.memref_slice %arg10[%dma_wait3A_83, %dma_wait3A_89] : memref<4x128xi32, #tpu.memory_space<vmem>> -> memref<1x128xi32, #tpu.memory_space<vmem>>
    %dma_wait3A_91 = tpu.memref_squeeze %dma_wait3A_90 : memref<1x128xi32, #tpu.memory_space<vmem>> -> memref<128xi32, #tpu.memory_space<vmem>>
    %dma_wait3A_92 = arith.constant 0 : i32
    %dma_wait3A_93 = arith.constant 0 : i32
    %dma_wait3A_94 = tpu.memref_slice %arg5[%dma_wait3A_92, %dma_wait3A_93] : memref<100000x128xf32, #tpu.memory_space<hbm>> -> memref<100000x128xf32, #tpu.memory_space<hbm>>
    tpu.wait_indirect_dma semaphore(%arg15 : memref<!tpu.dma_semaphore, #tpu.memory_space<semaphore_mem>>) src(%dma_wait3A_94 : memref<100000x128xf32, #tpu.memory_space<hbm>>) dst(%dma_wait3A_88 : memref<128x128xf32, #tpu.memory_space<vmem>>)
    %add3A_95 = arith.constant 0 : i32
    %add3A_96 = arith.addi %mul3A_4, %add3A_95 : i32
    %dma_start3A_97 = arith.constant 0 : i32
    %dma_start3A_98 = arith.constant 0 : i32
    %dma_start3A_99 = arith.constant 0 : i32
    %dma_start3A_100 = tpu.memref_slice %arg12[%dma_start3A_97, %dma_start3A_98, %dma_start3A_99] : memref<2x128x128xf32, #tpu.memory_space<vmem>> -> memref<1x128x128xf32, #tpu.memory_space<vmem>>
    %dma_start3A_101 = tpu.memref_squeeze %dma_start3A_100 : memref<1x128x128xf32, #tpu.memory_space<vmem>> -> memref<128x128xf32, #tpu.memory_space<vmem>>
    %dma_start3A_102 = arith.constant 0 : i32
    %dma_start3A_103 = tpu.memref_slice %arg8[%add3A_96, %dma_start3A_102] : memref<16384x128xf32, #tpu.memory_space<hbm>> -> memref<128x128xf32, #tpu.memory_space<hbm>>
    %dma_start3A_104 = arith.constant 0 : i32
    %dma_start3A_105 = tpu.memref_slice %arg8[%add3A_96, %dma_start3A_104] : memref<16384x128xf32, #tpu.memory_space<hbm>> -> memref<128x128xf32, #tpu.memory_space<hbm>>
    %dma_start3A_106 = arith.constant 0 : i32
    %dma_start3A_107 = arith.constant 0 : i32
    %dma_start3A_108 = tpu.memref_slice %arg12[%dma_start3A_97, %dma_start3A_106, %dma_start3A_107] : memref<2x128x128xf32, #tpu.memory_space<vmem>> -> memref<1x128x128xf32, #tpu.memory_space<vmem>>
    %dma_start3A_109 = tpu.memref_squeeze %dma_start3A_108 : memref<1x128x128xf32, #tpu.memory_space<vmem>> -> memref<128x128xf32, #tpu.memory_space<vmem>>
    tpu.enqueue_dma source(%dma_start3A_109 : memref<128x128xf32, #tpu.memory_space<vmem>>) target(%dma_start3A_105 : memref<128x128xf32, #tpu.memory_space<hbm>>) target_semaphore(%arg19 : memref<!tpu.dma_semaphore, #tpu.memory_space<semaphore_mem>>)
    %dma_wait3A_110 = arith.constant 1 : i32
    %dma_wait3A_111 = arith.constant 1 : i32
    %dma_wait3A_112 = arith.constant 0 : i32
    %dma_wait3A_113 = arith.constant 0 : i32
    %dma_wait3A_114 = tpu.memref_slice %arg12[%dma_wait3A_111, %dma_wait3A_112, %dma_wait3A_113] : memref<2x128x128xf32, #tpu.memory_space<vmem>> -> memref<1x128x128xf32, #tpu.memory_space<vmem>>
    %dma_wait3A_115 = tpu.memref_squeeze %dma_wait3A_114 : memref<1x128x128xf32, #tpu.memory_space<vmem>> -> memref<128x128xf32, #tpu.memory_space<vmem>>
    %dma_wait3A_116 = arith.constant 0 : i32
    %dma_wait3A_117 = tpu.memref_slice %arg10[%dma_wait3A_110, %dma_wait3A_116] : memref<4x128xi32, #tpu.memory_space<vmem>> -> memref<1x128xi32, #tpu.memory_space<vmem>>
    %dma_wait3A_118 = tpu.memref_squeeze %dma_wait3A_117 : memref<1x128xi32, #tpu.memory_space<vmem>> -> memref<128xi32, #tpu.memory_space<vmem>>
    %dma_wait3A_119 = arith.constant 0 : i32
    %dma_wait3A_120 = arith.constant 0 : i32
    %dma_wait3A_121 = tpu.memref_slice %arg5[%dma_wait3A_119, %dma_wait3A_120] : memref<100000x128xf32, #tpu.memory_space<hbm>> -> memref<100000x128xf32, #tpu.memory_space<hbm>>
    tpu.wait_indirect_dma semaphore(%arg16 : memref<!tpu.dma_semaphore, #tpu.memory_space<semaphore_mem>>) src(%dma_wait3A_121 : memref<100000x128xf32, #tpu.memory_space<hbm>>) dst(%dma_wait3A_115 : memref<128x128xf32, #tpu.memory_space<vmem>>)
    %add3A_122 = arith.constant 128 : i32
    %add3A_123 = arith.addi %mul3A_4, %add3A_122 : i32
    %dma_start3A_124 = arith.constant 1 : i32
    %dma_start3A_125 = arith.constant 0 : i32
    %dma_start3A_126 = arith.constant 0 : i32
    %dma_start3A_127 = tpu.memref_slice %arg12[%dma_start3A_124, %dma_start3A_125, %dma_start3A_126] : memref<2x128x128xf32, #tpu.memory_space<vmem>> -> memref<1x128x128xf32, #tpu.memory_space<vmem>>
    %dma_start3A_128 = tpu.memref_squeeze %dma_start3A_127 : memref<1x128x128xf32, #tpu.memory_space<vmem>> -> memref<128x128xf32, #tpu.memory_space<vmem>>
    %dma_start3A_129 = arith.constant 0 : i32
    %dma_start3A_130 = tpu.memref_slice %arg8[%add3A_123, %dma_start3A_129] : memref<16384x128xf32, #tpu.memory_space<hbm>> -> memref<128x128xf32, #tpu.memory_space<hbm>>
    %dma_start3A_131 = arith.constant 0 : i32
    %dma_start3A_132 = tpu.memref_slice %arg8[%add3A_123, %dma_start3A_131] : memref<16384x128xf32, #tpu.memory_space<hbm>> -> memref<128x128xf32, #tpu.memory_space<hbm>>
    %dma_start3A_133 = arith.constant 0 : i32
    %dma_start3A_134 = arith.constant 0 : i32
    %dma_start3A_135 = tpu.memref_slice %arg12[%dma_start3A_124, %dma_start3A_133, %dma_start3A_134] : memref<2x128x128xf32, #tpu.memory_space<vmem>> -> memref<1x128x128xf32, #tpu.memory_space<vmem>>
    %dma_start3A_136 = tpu.memref_squeeze %dma_start3A_135 : memref<1x128x128xf32, #tpu.memory_space<vmem>> -> memref<128x128xf32, #tpu.memory_space<vmem>>
    tpu.enqueue_dma source(%dma_start3A_136 : memref<128x128xf32, #tpu.memory_space<vmem>>) target(%dma_start3A_132 : memref<128x128xf32, #tpu.memory_space<hbm>>) target_semaphore(%arg20 : memref<!tpu.dma_semaphore, #tpu.memory_space<semaphore_mem>>)
    %dma_wait3A_137 = arith.constant 0 : i32
    %dma_wait3A_138 = arith.constant 0 : i32
    %dma_wait3A_139 = arith.constant 0 : i32
    %dma_wait3A_140 = tpu.memref_slice %arg11[%dma_wait3A_138, %dma_wait3A_139] : memref<512x128xf32, #tpu.memory_space<vmem>> -> memref<128x128xf32, #tpu.memory_space<vmem>>
    %dma_wait3A_141 = arith.constant 0 : i32
    %dma_wait3A_142 = tpu.memref_slice %arg9[%dma_wait3A_137, %dma_wait3A_141] : memref<4x128xi32, #tpu.memory_space<vmem>> -> memref<1x128xi32, #tpu.memory_space<vmem>>
    %dma_wait3A_143 = tpu.memref_squeeze %dma_wait3A_142 : memref<1x128xi32, #tpu.memory_space<vmem>> -> memref<128xi32, #tpu.memory_space<vmem>>
    %dma_wait3A_144 = arith.constant 0 : i32
    %dma_wait3A_145 = arith.constant 0 : i32
    %dma_wait3A_146 = tpu.memref_slice %arg4[%dma_wait3A_144, %dma_wait3A_145] : memref<1000000x128xf32, #tpu.memory_space<hbm>> -> memref<1000000x128xf32, #tpu.memory_space<hbm>>
    tpu.wait_indirect_dma semaphore(%arg14 : memref<!tpu.dma_semaphore, #tpu.memory_space<semaphore_mem>>) src(%dma_wait3A_146 : memref<1000000x128xf32, #tpu.memory_space<hbm>>) dst(%dma_wait3A_140 : memref<128x128xf32, #tpu.memory_space<vmem>>)
    %dma_wait3A_147 = arith.constant 1 : i32
    %dma_wait3A_148 = arith.constant 128 : i32
    %dma_wait3A_149 = arith.constant 0 : i32
    %dma_wait3A_150 = tpu.memref_slice %arg11[%dma_wait3A_148, %dma_wait3A_149] : memref<512x128xf32, #tpu.memory_space<vmem>> -> memref<128x128xf32, #tpu.memory_space<vmem>>
    %dma_wait3A_151 = arith.constant 0 : i32
    %dma_wait3A_152 = tpu.memref_slice %arg9[%dma_wait3A_147, %dma_wait3A_151] : memref<4x128xi32, #tpu.memory_space<vmem>> -> memref<1x128xi32, #tpu.memory_space<vmem>>
    %dma_wait3A_153 = tpu.memref_squeeze %dma_wait3A_152 : memref<1x128xi32, #tpu.memory_space<vmem>> -> memref<128xi32, #tpu.memory_space<vmem>>
    %dma_wait3A_154 = arith.constant 0 : i32
    %dma_wait3A_155 = arith.constant 0 : i32
    %dma_wait3A_156 = tpu.memref_slice %arg4[%dma_wait3A_154, %dma_wait3A_155] : memref<1000000x128xf32, #tpu.memory_space<hbm>> -> memref<1000000x128xf32, #tpu.memory_space<hbm>>
    tpu.wait_indirect_dma semaphore(%arg14 : memref<!tpu.dma_semaphore, #tpu.memory_space<semaphore_mem>>) src(%dma_wait3A_156 : memref<1000000x128xf32, #tpu.memory_space<hbm>>) dst(%dma_wait3A_150 : memref<128x128xf32, #tpu.memory_space<vmem>>)
    %dma_wait3A_157 = arith.constant 2 : i32
    %dma_wait3A_158 = arith.constant 256 : i32
    %dma_wait3A_159 = arith.constant 0 : i32
    %dma_wait3A_160 = tpu.memref_slice %arg11[%dma_wait3A_158, %dma_wait3A_159] : memref<512x128xf32, #tpu.memory_space<vmem>> -> memref<128x128xf32, #tpu.memory_space<vmem>>
    %dma_wait3A_161 = arith.constant 0 : i32
    %dma_wait3A_162 = tpu.memref_slice %arg9[%dma_wait3A_157, %dma_wait3A_161] : memref<4x128xi32, #tpu.memory_space<vmem>> -> memref<1x128xi32, #tpu.memory_space<vmem>>
    %dma_wait3A_163 = tpu.memref_squeeze %dma_wait3A_162 : memref<1x128xi32, #tpu.memory_space<vmem>> -> memref<128xi32, #tpu.memory_space<vmem>>
    %dma_wait3A_164 = arith.constant 0 : i32
    %dma_wait3A_165 = arith.constant 0 : i32
    %dma_wait3A_166 = tpu.memref_slice %arg4[%dma_wait3A_164, %dma_wait3A_165] : memref<1000000x128xf32, #tpu.memory_space<hbm>> -> memref<1000000x128xf32, #tpu.memory_space<hbm>>
    tpu.wait_indirect_dma semaphore(%arg14 : memref<!tpu.dma_semaphore, #tpu.memory_space<semaphore_mem>>) src(%dma_wait3A_166 : memref<1000000x128xf32, #tpu.memory_space<hbm>>) dst(%dma_wait3A_160 : memref<128x128xf32, #tpu.memory_space<vmem>>)
    %dma_wait3A_167 = arith.constant 3 : i32
    %dma_wait3A_168 = arith.constant 384 : i32
    %dma_wait3A_169 = arith.constant 0 : i32
    %dma_wait3A_170 = tpu.memref_slice %arg11[%dma_wait3A_168, %dma_wait3A_169] : memref<512x128xf32, #tpu.memory_space<vmem>> -> memref<128x128xf32, #tpu.memory_space<vmem>>
    %dma_wait3A_171 = arith.constant 0 : i32
    %dma_wait3A_172 = tpu.memref_slice %arg9[%dma_wait3A_167, %dma_wait3A_171] : memref<4x128xi32, #tpu.memory_space<vmem>> -> memref<1x128xi32, #tpu.memory_space<vmem>>
    %dma_wait3A_173 = tpu.memref_squeeze %dma_wait3A_172 : memref<1x128xi32, #tpu.memory_space<vmem>> -> memref<128xi32, #tpu.memory_space<vmem>>
    %dma_wait3A_174 = arith.constant 0 : i32
    %dma_wait3A_175 = arith.constant 0 : i32
    %dma_wait3A_176 = tpu.memref_slice %arg4[%dma_wait3A_174, %dma_wait3A_175] : memref<1000000x128xf32, #tpu.memory_space<hbm>> -> memref<1000000x128xf32, #tpu.memory_space<hbm>>
    tpu.wait_indirect_dma semaphore(%arg14 : memref<!tpu.dma_semaphore, #tpu.memory_space<semaphore_mem>>) src(%dma_wait3A_176 : memref<1000000x128xf32, #tpu.memory_space<hbm>>) dst(%dma_wait3A_170 : memref<128x128xf32, #tpu.memory_space<vmem>>)
    %dma_start3A_177 = arith.constant 0 : i32
    %dma_start3A_178 = tpu.memref_slice %arg6[%mul3A_4, %dma_start3A_177] : memref<16384x128xf32, #tpu.memory_space<hbm>> -> memref<512x128xf32, #tpu.memory_space<hbm>>
    %dma_start3A_179 = arith.constant 0 : i32
    %dma_start3A_180 = tpu.memref_slice %arg6[%mul3A_4, %dma_start3A_179] : memref<16384x128xf32, #tpu.memory_space<hbm>> -> memref<512x128xf32, #tpu.memory_space<hbm>>
    tpu.enqueue_dma source(%arg11 : memref<512x128xf32, #tpu.memory_space<vmem>>) target(%dma_start3A_180 : memref<512x128xf32, #tpu.memory_space<hbm>>) target_semaphore(%arg17 : memref<!tpu.dma_semaphore, #tpu.memory_space<semaphore_mem>>)
    %dma_start3A_181 = arith.constant 0 : i32
    %dma_start3A_182 = tpu.memref_slice %arg7[%mul3A_4, %dma_start3A_181] : memref<16384x128xf32, #tpu.memory_space<hbm>> -> memref<512x128xf32, #tpu.memory_space<hbm>>
    %dma_start3A_183 = arith.constant 0 : i32
    %dma_start3A_184 = tpu.memref_slice %arg7[%mul3A_4, %dma_start3A_183] : memref<16384x128xf32, #tpu.memory_space<hbm>> -> memref<512x128xf32, #tpu.memory_space<hbm>>
    tpu.enqueue_dma source(%arg11 : memref<512x128xf32, #tpu.memory_space<vmem>>) target(%dma_start3A_184 : memref<512x128xf32, #tpu.memory_space<hbm>>) target_semaphore(%arg18 : memref<!tpu.dma_semaphore, #tpu.memory_space<semaphore_mem>>)
    %dma_wait3A_185 = arith.constant 0 : i32
    %dma_wait3A_186 = arith.constant 0 : i32
    %dma_wait3A_187 = arith.constant 0 : i32
    %dma_wait3A_188 = tpu.memref_slice %arg12[%dma_wait3A_185, %dma_wait3A_186, %dma_wait3A_187] : memref<2x128x128xf32, #tpu.memory_space<vmem>> -> memref<1x128x128xf32, #tpu.memory_space<vmem>>
    %dma_wait3A_189 = tpu.memref_squeeze %dma_wait3A_188 : memref<1x128x128xf32, #tpu.memory_space<vmem>> -> memref<128x128xf32, #tpu.memory_space<vmem>>
    %dma_wait3A_190 = arith.constant 0 : i32
    %dma_wait3A_191 = tpu.memref_slice %arg8[%add3A_96, %dma_wait3A_190] : memref<16384x128xf32, #tpu.memory_space<hbm>> -> memref<128x128xf32, #tpu.memory_space<hbm>>
    %dma_wait3A_192 = arith.constant 0 : i32
    %dma_wait3A_193 = tpu.memref_slice %arg8[%add3A_96, %dma_wait3A_192] : memref<16384x128xf32, #tpu.memory_space<hbm>> -> memref<128x128xf32, #tpu.memory_space<hbm>>
    %dma_wait3A_194 = arith.constant 0 : i32
    %dma_wait3A_195 = arith.constant 0 : i32
    %dma_wait3A_196 = tpu.memref_slice %arg12[%dma_wait3A_185, %dma_wait3A_194, %dma_wait3A_195] : memref<2x128x128xf32, #tpu.memory_space<vmem>> -> memref<1x128x128xf32, #tpu.memory_space<vmem>>
    %dma_wait3A_197 = tpu.memref_squeeze %dma_wait3A_196 : memref<1x128x128xf32, #tpu.memory_space<vmem>> -> memref<128x128xf32, #tpu.memory_space<vmem>>
    tpu.wait_dma2 semaphore(%arg19 : memref<!tpu.dma_semaphore, #tpu.memory_space<semaphore_mem>>) src(%dma_wait3A_197 : memref<128x128xf32, #tpu.memory_space<vmem>>) dst(%dma_wait3A_193 : memref<128x128xf32, #tpu.memory_space<hbm>>)
    %dma_start3A_198 = arith.constant 2 : i32
    %dma_start3A_199 = arith.constant 0 : i32
    %dma_start3A_200 = arith.constant 0 : i32
    %dma_start3A_201 = arith.constant 0 : i32
    %dma_start3A_202 = tpu.memref_slice %arg12[%dma_start3A_199, %dma_start3A_200, %dma_start3A_201] : memref<2x128x128xf32, #tpu.memory_space<vmem>> -> memref<1x128x128xf32, #tpu.memory_space<vmem>>
    %dma_start3A_203 = tpu.memref_squeeze %dma_start3A_202 : memref<1x128x128xf32, #tpu.memory_space<vmem>> -> memref<128x128xf32, #tpu.memory_space<vmem>>
    %dma_start3A_204 = arith.constant 0 : i32
    %dma_start3A_205 = tpu.memref_slice %arg10[%dma_start3A_198, %dma_start3A_204] : memref<4x128xi32, #tpu.memory_space<vmem>> -> memref<1x128xi32, #tpu.memory_space<vmem>>
    %dma_start3A_206 = tpu.memref_squeeze %dma_start3A_205 : memref<1x128xi32, #tpu.memory_space<vmem>> -> memref<128xi32, #tpu.memory_space<vmem>>
    %dma_start3A_207 = arith.constant 0 : i32
    %dma_start3A_208 = arith.constant 0 : i32
    %dma_start3A_209 = tpu.memref_slice %arg5[%dma_start3A_207, %dma_start3A_208] : memref<100000x128xf32, #tpu.memory_space<hbm>> -> memref<100000x128xf32, #tpu.memory_space<hbm>>
    tpu.enqueue_indirect_dma source(%dma_start3A_209 : memref<100000x128xf32, #tpu.memory_space<hbm>>) target(%dma_start3A_203 : memref<128x128xf32, #tpu.memory_space<vmem>>) offsets(%dma_start3A_206 : memref<128xi32, #tpu.memory_space<vmem>>) semaphore(%arg15 : memref<!tpu.dma_semaphore, #tpu.memory_space<semaphore_mem>>)
    %dma_wait3A_210 = arith.constant 1 : i32
    %dma_wait3A_211 = arith.constant 0 : i32
    %dma_wait3A_212 = arith.constant 0 : i32
    %dma_wait3A_213 = tpu.memref_slice %arg12[%dma_wait3A_210, %dma_wait3A_211, %dma_wait3A_212] : memref<2x128x128xf32, #tpu.memory_space<vmem>> -> memref<1x128x128xf32, #tpu.memory_space<vmem>>
    %dma_wait3A_214 = tpu.memref_squeeze %dma_wait3A_213 : memref<1x128x128xf32, #tpu.memory_space<vmem>> -> memref<128x128xf32, #tpu.memory_space<vmem>>
    %dma_wait3A_215 = arith.constant 0 : i32
    %dma_wait3A_216 = tpu.memref_slice %arg8[%add3A_123, %dma_wait3A_215] : memref<16384x128xf32, #tpu.memory_space<hbm>> -> memref<128x128xf32, #tpu.memory_space<hbm>>
    %dma_wait3A_217 = arith.constant 0 : i32
    %dma_wait3A_218 = tpu.memref_slice %arg8[%add3A_123, %dma_wait3A_217] : memref<16384x128xf32, #tpu.memory_space<hbm>> -> memref<128x128xf32, #tpu.memory_space<hbm>>
    %dma_wait3A_219 = arith.constant 0 : i32
    %dma_wait3A_220 = arith.constant 0 : i32
    %dma_wait3A_221 = tpu.memref_slice %arg12[%dma_wait3A_210, %dma_wait3A_219, %dma_wait3A_220] : memref<2x128x128xf32, #tpu.memory_space<vmem>> -> memref<1x128x128xf32, #tpu.memory_space<vmem>>
    %dma_wait3A_222 = tpu.memref_squeeze %dma_wait3A_221 : memref<1x128x128xf32, #tpu.memory_space<vmem>> -> memref<128x128xf32, #tpu.memory_space<vmem>>
    tpu.wait_dma2 semaphore(%arg20 : memref<!tpu.dma_semaphore, #tpu.memory_space<semaphore_mem>>) src(%dma_wait3A_222 : memref<128x128xf32, #tpu.memory_space<vmem>>) dst(%dma_wait3A_218 : memref<128x128xf32, #tpu.memory_space<hbm>>)
    %dma_start3A_223 = arith.constant 3 : i32
    %dma_start3A_224 = arith.constant 1 : i32
    %dma_start3A_225 = arith.constant 0 : i32
    %dma_start3A_226 = arith.constant 0 : i32
    %dma_start3A_227 = tpu.memref_slice %arg12[%dma_start3A_224, %dma_start3A_225, %dma_start3A_226] : memref<2x128x128xf32, #tpu.memory_space<vmem>> -> memref<1x128x128xf32, #tpu.memory_space<vmem>>
    %dma_start3A_228 = tpu.memref_squeeze %dma_start3A_227 : memref<1x128x128xf32, #tpu.memory_space<vmem>> -> memref<128x128xf32, #tpu.memory_space<vmem>>
    %dma_start3A_229 = arith.constant 0 : i32
    %dma_start3A_230 = tpu.memref_slice %arg10[%dma_start3A_223, %dma_start3A_229] : memref<4x128xi32, #tpu.memory_space<vmem>> -> memref<1x128xi32, #tpu.memory_space<vmem>>
    %dma_start3A_231 = tpu.memref_squeeze %dma_start3A_230 : memref<1x128xi32, #tpu.memory_space<vmem>> -> memref<128xi32, #tpu.memory_space<vmem>>
    %dma_start3A_232 = arith.constant 0 : i32
    %dma_start3A_233 = arith.constant 0 : i32
    %dma_start3A_234 = tpu.memref_slice %arg5[%dma_start3A_232, %dma_start3A_233] : memref<100000x128xf32, #tpu.memory_space<hbm>> -> memref<100000x128xf32, #tpu.memory_space<hbm>>
    tpu.enqueue_indirect_dma source(%dma_start3A_234 : memref<100000x128xf32, #tpu.memory_space<hbm>>) target(%dma_start3A_228 : memref<128x128xf32, #tpu.memory_space<vmem>>) offsets(%dma_start3A_231 : memref<128xi32, #tpu.memory_space<vmem>>) semaphore(%arg16 : memref<!tpu.dma_semaphore, #tpu.memory_space<semaphore_mem>>)
    %dma_wait3A_235 = arith.constant 2 : i32
    %dma_wait3A_236 = arith.constant 0 : i32
    %dma_wait3A_237 = arith.constant 0 : i32
    %dma_wait3A_238 = arith.constant 0 : i32
    %dma_wait3A_239 = tpu.memref_slice %arg12[%dma_wait3A_236, %dma_wait3A_237, %dma_wait3A_238] : memref<2x128x128xf32, #tpu.memory_space<vmem>> -> memref<1x128x128xf32, #tpu.memory_space<vmem>>
    %dma_wait3A_240 = tpu.memref_squeeze %dma_wait3A_239 : memref<1x128x128xf32, #tpu.memory_space<vmem>> -> memref<128x128xf32, #tpu.memory_space<vmem>>
    %dma_wait3A_241 = arith.constant 0 : i32
    %dma_wait3A_242 = tpu.memref_slice %arg10[%dma_wait3A_235, %dma_wait3A_241] : memref<4x128xi32, #tpu.memory_space<vmem>> -> memref<1x128xi32, #tpu.memory_space<vmem>>
    %dma_wait3A_243 = tpu.memref_squeeze %dma_wait3A_242 : memref<1x128xi32, #tpu.memory_space<vmem>> -> memref<128xi32, #tpu.memory_space<vmem>>
    %dma_wait3A_244 = arith.constant 0 : i32
    %dma_wait3A_245 = arith.constant 0 : i32
    %dma_wait3A_246 = tpu.memref_slice %arg5[%dma_wait3A_244, %dma_wait3A_245] : memref<100000x128xf32, #tpu.memory_space<hbm>> -> memref<100000x128xf32, #tpu.memory_space<hbm>>
    tpu.wait_indirect_dma semaphore(%arg15 : memref<!tpu.dma_semaphore, #tpu.memory_space<semaphore_mem>>) src(%dma_wait3A_246 : memref<100000x128xf32, #tpu.memory_space<hbm>>) dst(%dma_wait3A_240 : memref<128x128xf32, #tpu.memory_space<vmem>>)
    %add3A_247 = arith.constant 256 : i32
    %add3A_248 = arith.addi %mul3A_4, %add3A_247 : i32
    %dma_start3A_249 = arith.constant 0 : i32
    %dma_start3A_250 = arith.constant 0 : i32
    %dma_start3A_251 = arith.constant 0 : i32
    %dma_start3A_252 = tpu.memref_slice %arg12[%dma_start3A_249, %dma_start3A_250, %dma_start3A_251] : memref<2x128x128xf32, #tpu.memory_space<vmem>> -> memref<1x128x128xf32, #tpu.memory_space<vmem>>
    %dma_start3A_253 = tpu.memref_squeeze %dma_start3A_252 : memref<1x128x128xf32, #tpu.memory_space<vmem>> -> memref<128x128xf32, #tpu.memory_space<vmem>>
    %dma_start3A_254 = arith.constant 0 : i32
    %dma_start3A_255 = tpu.memref_slice %arg8[%add3A_248, %dma_start3A_254] : memref<16384x128xf32, #tpu.memory_space<hbm>> -> memref<128x128xf32, #tpu.memory_space<hbm>>
    %dma_start3A_256 = arith.constant 0 : i32
    %dma_start3A_257 = tpu.memref_slice %arg8[%add3A_248, %dma_start3A_256] : memref<16384x128xf32, #tpu.memory_space<hbm>> -> memref<128x128xf32, #tpu.memory_space<hbm>>
    %dma_start3A_258 = arith.constant 0 : i32
    %dma_start3A_259 = arith.constant 0 : i32
    %dma_start3A_260 = tpu.memref_slice %arg12[%dma_start3A_249, %dma_start3A_258, %dma_start3A_259] : memref<2x128x128xf32, #tpu.memory_space<vmem>> -> memref<1x128x128xf32, #tpu.memory_space<vmem>>
    %dma_start3A_261 = tpu.memref_squeeze %dma_start3A_260 : memref<1x128x128xf32, #tpu.memory_space<vmem>> -> memref<128x128xf32, #tpu.memory_space<vmem>>
    tpu.enqueue_dma source(%dma_start3A_261 : memref<128x128xf32, #tpu.memory_space<vmem>>) target(%dma_start3A_257 : memref<128x128xf32, #tpu.memory_space<hbm>>) target_semaphore(%arg19 : memref<!tpu.dma_semaphore, #tpu.memory_space<semaphore_mem>>)
    %dma_wait3A_262 = arith.constant 3 : i32
    %dma_wait3A_263 = arith.constant 1 : i32
    %dma_wait3A_264 = arith.constant 0 : i32
    %dma_wait3A_265 = arith.constant 0 : i32
    %dma_wait3A_266 = tpu.memref_slice %arg12[%dma_wait3A_263, %dma_wait3A_264, %dma_wait3A_265] : memref<2x128x128xf32, #tpu.memory_space<vmem>> -> memref<1x128x128xf32, #tpu.memory_space<vmem>>
    %dma_wait3A_267 = tpu.memref_squeeze %dma_wait3A_266 : memref<1x128x128xf32, #tpu.memory_space<vmem>> -> memref<128x128xf32, #tpu.memory_space<vmem>>
    %dma_wait3A_268 = arith.constant 0 : i32
    %dma_wait3A_269 = tpu.memref_slice %arg10[%dma_wait3A_262, %dma_wait3A_268] : memref<4x128xi32, #tpu.memory_space<vmem>> -> memref<1x128xi32, #tpu.memory_space<vmem>>
    %dma_wait3A_270 = tpu.memref_squeeze %dma_wait3A_269 : memref<1x128xi32, #tpu.memory_space<vmem>> -> memref<128xi32, #tpu.memory_space<vmem>>
    %dma_wait3A_271 = arith.constant 0 : i32
    %dma_wait3A_272 = arith.constant 0 : i32
    %dma_wait3A_273 = tpu.memref_slice %arg5[%dma_wait3A_271, %dma_wait3A_272] : memref<100000x128xf32, #tpu.memory_space<hbm>> -> memref<100000x128xf32, #tpu.memory_space<hbm>>
    tpu.wait_indirect_dma semaphore(%arg16 : memref<!tpu.dma_semaphore, #tpu.memory_space<semaphore_mem>>) src(%dma_wait3A_273 : memref<100000x128xf32, #tpu.memory_space<hbm>>) dst(%dma_wait3A_267 : memref<128x128xf32, #tpu.memory_space<vmem>>)
    %add3A_274 = arith.constant 384 : i32
    %add3A_275 = arith.addi %mul3A_4, %add3A_274 : i32
    %dma_start3A_276 = arith.constant 1 : i32
    %dma_start3A_277 = arith.constant 0 : i32
    %dma_start3A_278 = arith.constant 0 : i32
    %dma_start3A_279 = tpu.memref_slice %arg12[%dma_start3A_276, %dma_start3A_277, %dma_start3A_278] : memref<2x128x128xf32, #tpu.memory_space<vmem>> -> memref<1x128x128xf32, #tpu.memory_space<vmem>>
    %dma_start3A_280 = tpu.memref_squeeze %dma_start3A_279 : memref<1x128x128xf32, #tpu.memory_space<vmem>> -> memref<128x128xf32, #tpu.memory_space<vmem>>
    %dma_start3A_281 = arith.constant 0 : i32
    %dma_start3A_282 = tpu.memref_slice %arg8[%add3A_275, %dma_start3A_281] : memref<16384x128xf32, #tpu.memory_space<hbm>> -> memref<128x128xf32, #tpu.memory_space<hbm>>
    %dma_start3A_283 = arith.constant 0 : i32
    %dma_start3A_284 = tpu.memref_slice %arg8[%add3A_275, %dma_start3A_283] : memref<16384x128xf32, #tpu.memory_space<hbm>> -> memref<128x128xf32, #tpu.memory_space<hbm>>
    %dma_start3A_285 = arith.constant 0 : i32
    %dma_start3A_286 = arith.constant 0 : i32
    %dma_start3A_287 = tpu.memref_slice %arg12[%dma_start3A_276, %dma_start3A_285, %dma_start3A_286] : memref<2x128x128xf32, #tpu.memory_space<vmem>> -> memref<1x128x128xf32, #tpu.memory_space<vmem>>
    %dma_start3A_288 = tpu.memref_squeeze %dma_start3A_287 : memref<1x128x128xf32, #tpu.memory_space<vmem>> -> memref<128x128xf32, #tpu.memory_space<vmem>>
    tpu.enqueue_dma source(%dma_start3A_288 : memref<128x128xf32, #tpu.memory_space<vmem>>) target(%dma_start3A_284 : memref<128x128xf32, #tpu.memory_space<hbm>>) target_semaphore(%arg20 : memref<!tpu.dma_semaphore, #tpu.memory_space<semaphore_mem>>)
    %dma_wait3A_289 = arith.constant 0 : i32
    %dma_wait3A_290 = tpu.memref_slice %arg6[%mul3A_4, %dma_wait3A_289] : memref<16384x128xf32, #tpu.memory_space<hbm>> -> memref<512x128xf32, #tpu.memory_space<hbm>>
    %dma_wait3A_291 = arith.constant 0 : i32
    %dma_wait3A_292 = tpu.memref_slice %arg6[%mul3A_4, %dma_wait3A_291] : memref<16384x128xf32, #tpu.memory_space<hbm>> -> memref<512x128xf32, #tpu.memory_space<hbm>>
    tpu.wait_dma2 semaphore(%arg17 : memref<!tpu.dma_semaphore, #tpu.memory_space<semaphore_mem>>) src(%arg11 : memref<512x128xf32, #tpu.memory_space<vmem>>) dst(%dma_wait3A_292 : memref<512x128xf32, #tpu.memory_space<hbm>>)
    %dma_wait3A_293 = arith.constant 0 : i32
    %dma_wait3A_294 = tpu.memref_slice %arg7[%mul3A_4, %dma_wait3A_293] : memref<16384x128xf32, #tpu.memory_space<hbm>> -> memref<512x128xf32, #tpu.memory_space<hbm>>
    %dma_wait3A_295 = arith.constant 0 : i32
    %dma_wait3A_296 = tpu.memref_slice %arg7[%mul3A_4, %dma_wait3A_295] : memref<16384x128xf32, #tpu.memory_space<hbm>> -> memref<512x128xf32, #tpu.memory_space<hbm>>
    tpu.wait_dma2 semaphore(%arg18 : memref<!tpu.dma_semaphore, #tpu.memory_space<semaphore_mem>>) src(%arg11 : memref<512x128xf32, #tpu.memory_space<vmem>>) dst(%dma_wait3A_296 : memref<512x128xf32, #tpu.memory_space<hbm>>)
    %dma_wait3A_297 = arith.constant 0 : i32
    %dma_wait3A_298 = arith.constant 0 : i32
    %dma_wait3A_299 = arith.constant 0 : i32
    %dma_wait3A_300 = tpu.memref_slice %arg12[%dma_wait3A_297, %dma_wait3A_298, %dma_wait3A_299] : memref<2x128x128xf32, #tpu.memory_space<vmem>> -> memref<1x128x128xf32, #tpu.memory_space<vmem>>
    %dma_wait3A_301 = tpu.memref_squeeze %dma_wait3A_300 : memref<1x128x128xf32, #tpu.memory_space<vmem>> -> memref<128x128xf32, #tpu.memory_space<vmem>>
    %dma_wait3A_302 = arith.constant 0 : i32
    %dma_wait3A_303 = tpu.memref_slice %arg8[%add3A_248, %dma_wait3A_302] : memref<16384x128xf32, #tpu.memory_space<hbm>> -> memref<128x128xf32, #tpu.memory_space<hbm>>
    %dma_wait3A_304 = arith.constant 0 : i32
    %dma_wait3A_305 = tpu.memref_slice %arg8[%add3A_248, %dma_wait3A_304] : memref<16384x128xf32, #tpu.memory_space<hbm>> -> memref<128x128xf32, #tpu.memory_space<hbm>>
    %dma_wait3A_306 = arith.constant 0 : i32
    %dma_wait3A_307 = arith.constant 0 : i32
    %dma_wait3A_308 = tpu.memref_slice %arg12[%dma_wait3A_297, %dma_wait3A_306, %dma_wait3A_307] : memref<2x128x128xf32, #tpu.memory_space<vmem>> -> memref<1x128x128xf32, #tpu.memory_space<vmem>>
    %dma_wait3A_309 = tpu.memref_squeeze %dma_wait3A_308 : memref<1x128x128xf32, #tpu.memory_space<vmem>> -> memref<128x128xf32, #tpu.memory_space<vmem>>
    tpu.wait_dma2 semaphore(%arg19 : memref<!tpu.dma_semaphore, #tpu.memory_space<semaphore_mem>>) src(%dma_wait3A_309 : memref<128x128xf32, #tpu.memory_space<vmem>>) dst(%dma_wait3A_305 : memref<128x128xf32, #tpu.memory_space<hbm>>)
    %dma_wait3A_310 = arith.constant 1 : i32
    %dma_wait3A_311 = arith.constant 0 : i32
    %dma_wait3A_312 = arith.constant 0 : i32
    %dma_wait3A_313 = tpu.memref_slice %arg12[%dma_wait3A_310, %dma_wait3A_311, %dma_wait3A_312] : memref<2x128x128xf32, #tpu.memory_space<vmem>> -> memref<1x128x128xf32, #tpu.memory_space<vmem>>
    %dma_wait3A_314 = tpu.memref_squeeze %dma_wait3A_313 : memref<1x128x128xf32, #tpu.memory_space<vmem>> -> memref<128x128xf32, #tpu.memory_space<vmem>>
    %dma_wait3A_315 = arith.constant 0 : i32
    %dma_wait3A_316 = tpu.memref_slice %arg8[%add3A_275, %dma_wait3A_315] : memref<16384x128xf32, #tpu.memory_space<hbm>> -> memref<128x128xf32, #tpu.memory_space<hbm>>
    %dma_wait3A_317 = arith.constant 0 : i32
    %dma_wait3A_318 = tpu.memref_slice %arg8[%add3A_275, %dma_wait3A_317] : memref<16384x128xf32, #tpu.memory_space<hbm>> -> memref<128x128xf32, #tpu.memory_space<hbm>>
    %dma_wait3A_319 = arith.constant 0 : i32
    %dma_wait3A_320 = arith.constant 0 : i32
    %dma_wait3A_321 = tpu.memref_slice %arg12[%dma_wait3A_310, %dma_wait3A_319, %dma_wait3A_320] : memref<2x128x128xf32, #tpu.memory_space<vmem>> -> memref<1x128x128xf32, #tpu.memory_space<vmem>>
    %dma_wait3A_322 = tpu.memref_squeeze %dma_wait3A_321 : memref<1x128x128xf32, #tpu.memory_space<vmem>> -> memref<128x128xf32, #tpu.memory_space<vmem>>
    tpu.wait_dma2 semaphore(%arg20 : memref<!tpu.dma_semaphore, #tpu.memory_space<semaphore_mem>>) src(%dma_wait3A_322 : memref<128x128xf32, #tpu.memory_space<vmem>>) dst(%dma_wait3A_318 : memref<128x128xf32, #tpu.memory_space<hbm>>)
    return
  }
}

</mosaic_0001>

<sc_bundles>
// kernel: kernel.3.cloned.1.call-start
scs
__scs_entry_jumppad:
0x0: {  	(pc) =	sbr.rel $0x88, $3  }
0x1: {  	(tag) =	ssettag $0x0;
	lr =	simm.s32 $0x1  }
0x2: {  	[smem:$0x3F9D] =	sst lr;
	_ =	strace $0xD0000000  }
0x3: {  	_ = 	snop  }
0x4: {  	_ = 	snop  }
0x5: {  	_ = 	snop  }
0x6: {  	_ = 	snop  }
0x7: {  	_ = 	snop  }
__scs_overlays_trampoline_lowered:
0x8: {  	[smem:$0x3FAC] =	sst s0  }
0x9: {  	[smem:$0x3FAD] =	sst s1  }
0xa: {  	[smem:$0x3FAE] =	sst s2  }
0xb: {  	[smem:$0x3FAF] =	sst s3  }
0xc: {  	[smem:$0x3FB0] =	sst s4  }
0xd: {  	[smem:$0x3FB1] =	sst s5  }
0xe: {  	[smem:$0x3FB2] =	sst s6  }
0xf: {  	[smem:$0x3FB3] =	sst s7  }
0x10: {  	[smem:$0x3FB4] =	sst s8  }
0x11: {  	[smem:$0x3FB5] =	sst s9;
	s0 =	simm.s32 @!p0 $0x0  }
0x12: {  	s1 =	sld [smem:$0x3F9B];
	s0 =	simm.s32 @p0 $0x1  }
0x13: {  	[smem:$0x3FB6] =	sst s0;
	s0 =	simm.s32 @!p1 $0x0  }
0x14: {  	s2 =	sld [smem:$0x3F9A];
	s0 =	simm.s32 @p1 $0x1  }
0x15: {  	[smem:$0x3FB7] =	sst s0;
	s0 =	simm.s32 @!p2 $0x0  }
0x16: {  	s3 =	sld [smem:$0x3FDB];
	s0 =	simm.s32 @p2 $0x1  }
0x17: {  	s4 =	simm.s32 $0x1BF5;
	[smem:$0x3FB9] =	sst s0  }
0x18: {  	s0 =	sld [smem:$0x3F9C];
	_ =	swait.ge [sflag:s4], $0x0  }
0x19: {  	s7 =	sld [smem:$0x3F9D]  }
0x1a: {  	s8 =	sadd.s32 $0xFFFFE003, lr  }
0x1b: {  	s9 =	sadd.s32 $0xFFFFFEF7, lr;
	s5 =	simm.s32 $0xFFFFFFFF;
	p2 =	slt.u32 s8, $0xFFFFF086  }
0x1c: {  	p1 =	slt.u32 s9, $0xF7A;
	s5 =	simm.s32 @!p2 $0x0  }
0x1d: {  	s5 =	simm.s32 @p1 $0x1;
	p0 =	seq.s32 s7, s2  }
0x1e: {  	s7 =	smul.u32 @!p0 $0xF7A, s2;
	p2 =	seq.s32 @!p0 s5, $0x0  }
0x1f: {  	s9 =	smul.u32 $0xF7A, s1;
	s8 =	simm.s32 @!p0 $0x1BF5;
	p2 =	por !p2, p0  }
0x20: {  	[sflag:s8] =	ssyncset.s32 @!p0 $0xFFFFF086;
	s6 =	sadd.s32 @!p0 s3, s7;
	s7 =	simm.s32 @!p0 $0x108  }
0x21: {  	s3 =	sadd.s32 s3, s9;
	s6 =	sadd.s32 @!p0 $0x88, s6;
	s7 =	simm.s32 @p2 $0x1082  }
0x22: {  	[simem:s7], [sflag:s8] =	dma.local @!p0 [hbm:s6], $0xF7A  }
0x23: {  	s9 =	sor.u32 $0xD0000000, s2;
	s6 =	simm.s32 $0x108;
	_ =	swait.ge @!p0 [sflag:s8], $0x0  }
0x24: {  	s3 =	sadd.s32 $0x88, s3;
	s6 =	simm.s32 @!p1 $0x1082;
	[sflag:s4] =	ssyncset.s32 $0xFFFFF086  }
0x25: {  	[simem:s6], [sflag:s4] =	dma.local [hbm:s3], $0xF7A  }
0x26: {  	[smem:$0x3F9D] =	sst s1;
	(tag) =	ssettag s2;
	_ =	strace s9  }
0x27: {  	s1 =	sld [smem:$0x3FAD]  }
0x28: {  	s2 =	sld [smem:$0x3FAE]  }
0x29: {  	s4 =	sld [smem:$0x3FB0]  }
0x2a: {  	p0 =	seq.s32 s5, $0x0;
	s5 =	sld [smem:$0x3FB1]  }
0x2b: {  	s6 =	sld [smem:$0x3FB2]  }
0x2c: {  	s7 =	sld [smem:$0x3FB3]  }
0x2d: {  	s3 =	simm.s32 $0x108;
	s8 =	sld [smem:$0x3FB4]  }
0x2e: {  	s3 =	simm.s32 @!p0 $0x1082;
	s9 =	sld [smem:$0x3FB5]  }
0x2f: {  	lr =	sadd.s32 s0, s3;
	s0 =	sld [smem:$0x3FAC]  }
0x30: {  	s3 =	sld [smem:$0x3FAF]  }
0x31: {  	[smem:$0x3FB8] =	sst s10  }
0x32: {  	s10 =	sld [smem:$0x3FB6];
	_ =	sdelay $0x3  }
0x33: {  	p0 =	seq.s32 s10, $0x1;
	s10 =	sld [smem:$0x3FB8];
	_ =	sdelay $0x3  }
0x34: {  	[smem:$0x3FB8] =	sst s10  }
0x35: {  	s10 =	sld [smem:$0x3FB7];
	_ =	sdelay $0x3  }
0x36: {  	p1 =	seq.s32 s10, $0x1;
	s10 =	sld [smem:$0x3FB8];
	_ =	sdelay $0x3  }
0x37: {  	[smem:$0x3FB8] =	sst s10  }
0x38: {  	s10 =	sld [smem:$0x3FB9]  }
0x39: {  	_ = 	snop;
	(pc) =	sbr.ind lr, $3  }
0x3a: {  	_ = 	snop  }
0x3b: {  	_ = 	snop  }
0x3c: {  	p2 =	seq.s32 s10, $0x1;
	s10 =	sld [smem:$0x3FB8]  }
0x3d: {  	_ =	shalt  }
0x3e: {  	_ =	shalt  }
0x3f: {  	_ =	shalt  }
0x40: {  	_ =	shalt  }
0x41: {  	_ =	shalt  }
0x42: {  	_ =	shalt  }
0x43: {  	_ =	shalt  }
0x44: {  	_ =	shalt  }
0x45: {  	_ =	shalt  }
0x46: {  	_ =	shalt  }
0x47: {  	_ =	shalt  }
0x48: {  	_ =	shalt  }
0x49: {  	_ =	shalt  }
0x4a: {  	_ =	shalt  }
0x4b: {  	_ =	shalt  }
0x4c: {  	_ =	shalt  }
0x4d: {  	_ =	shalt  }
0x4e: {  	_ =	shalt  }
0x4f: {  	_ =	shalt  }
0x50: {  	_ =	shalt  }
0x51: {  	_ =	shalt  }
0x52: {  	_ =	shalt  }
0x53: {  	_ =	shalt  }
0x54: {  	_ =	shalt  }
0x55: {  	_ =	shalt  }
0x56: {  	_ =	shalt  }
0x57: {  	_ =	shalt  }
0x58: {  	_ =	shalt  }
0x59: {  	_ =	shalt  }
0x5a: {  	_ =	shalt  }
0x5b: {  	_ =	shalt  }
0x5c: {  	_ =	shalt  }
0x5d: {  	_ =	shalt  }
0x5e: {  	_ =	shalt  }
0x5f: {  	_ =	shalt  }
0x60: {  	_ =	shalt  }
0x61: {  	_ =	shalt  }
0x62: {  	_ =	shalt  }
0x63: {  	_ =	shalt  }
0x64: {  	_ =	shalt  }
0x65: {  	_ =	shalt  }
0x66: {  	_ =	shalt  }
0x67: {  	_ =	shalt  }
0x68: {  	_ =	shalt  }
0x69: {  	_ =	shalt  }
0x6a: {  	_ =	shalt  }
0x6b: {  	_ =	shalt  }
0x6c: {  	_ =	shalt  }
0x6d: {  	_ =	shalt  }
0x6e: {  	_ =	shalt  }
0x6f: {  	_ =	shalt  }
0x70: {  	_ =	shalt  }
0x71: {  	_ =	shalt  }
0x72: {  	_ =	shalt  }
0x73: {  	_ =	shalt  }
0x74: {  	_ =	shalt  }
0x75: {  	_ =	shalt  }
0x76: {  	_ =	shalt  }
0x77: {  	_ =	shalt  }
0x78: {  	_ =	shalt  }
0x79: {  	_ =	shalt  }
0x7a: {  	_ =	shalt  }
0x7b: {  	_ =	shalt  }
0x7c: {  	_ =	shalt  }
0x7d: {  	_ =	shalt  }
0x7e: {  	_ =	shalt  }
0x7f: {  	_ =	shalt  }
0x80: {  	_ =	shalt  }
0x81: {  	_ =	shalt  }
0x82: {  	_ =	shalt  }
0x83: {  	_ =	shalt  }
0x84: {  	_ =	shalt  }
0x85: {  	_ =	shalt  }
0x86: {  	_ =	shalt  }
0x87: {  	_ =	shalt  }
.Lfunc_end0:
.L_simem_size_0:
called_computation_lowered:
.L_overlay_start_0:
0x88: {  	s2 =	sld [smem:$0x3FD9]  }
0x89: {  	s3 =	sld [smem:$0x3FFE];
	_ =	sdelay $0x1  }
0x8a: {  	s1 =	srdreg.scid  }
0x8b: {  	s0 =	sand.u32 $0x1, s1  }
0x8c: {  	s15 =	sshll.u32 s0, $0xA;
	s2 =	sadd.s32 s3, s2  }
0x8d: {  	s2 =	sadd.s32 s2, s15  }
0x8e: {  	[smem:$0x3FC4] =	sst s2  }
0x8f: {  	_ = 	snop  }
0x90: {  	s2 =	sld [smem:$0x3FC9]  }
0x91: {  	s16 =	sld [smem:$0x3FD0]  }
0x92: {  	s4 =	sld [smem:$0x3FC8]  }
0x93: {  	s5 =	sld [smem:$0x3FC7]  }
0x94: {  	s7 =	simm.s32 $0xA;
	s8 =	simm.s32 $0x10;
	s6 =	sld [smem:$0x3FC6]  }
0x95: {  	[smem:s8], [sflag:s7] =	dma.local [hbm:s16], $0x1  }
0x96: {  	_ =	swait.eq [sflag:s7], $0x1  }
0x97: {  	s17 =	sld [smem:$0x10];
	[sflag:s7] =	ssyncset.done $0x0  }
0x98: {  	s18 =	sld [smem:$0x11];
	[sflag:s7] =	ssyncadd.s32 $0xFFFFFFFF  }
0x99: {  	s19 =	sld [smem:$0x12];
	(tm) =	ssettm $0x1  }
0x9a: {  	s9 =	sld [smem:$0x3FFB];
	_ =	sdelay $0x3  }
0x9b: {  	_ =	strace s9  }
0x9c: {  	s9 =	sld [smem:$0x3FFC];
	_ =	sdelay $0x3  }
0x9d: {  	_ =	strace s9  }
0x9e: {  	s9 =	sld [smem:$0x3FFD];
	_ =	sdelay $0x3  }
0x9f: {  	_ =	strace s9  }
0xa0: {  	_ =	strace $0x8FFFFFFF  }
0xa1: {  	s20 =	sld [smem:$0x3FDB];
	_ =	sdelay $0x1  }
0xa2: {  	s10 =	simm.s32 $_scs_section_size  }
0xa3: {  	s11 =	simm.s32 $_size__tile_overlayer_lowered;
	s12 =	simm.s32 $_tile_overlayer_lowered  }
0xa4: {  	s23 =	simm.s32 $0x1BFF;
	s22 =	sshll.u32 s12, $0x1;
	s9 =	sadd.s32 s10, s20  }
0xa5: {  	s13 =	simm.s32 $0x0;
	s21 =	sshll.u32 s11, $0x1;
	s11 =	sadd.s32 s22, s9  }
0xa6: {  	[timem:s13], [sflag:s23] =	dma.local [hbm:s11], s21  }
0xa7: {  	_ =	swait.ge [sflag:s23], s21  }
0xa8: {  	s10 =	ssub.s32 $0x0, s21;
	[sflag:s23] =	ssyncset.done $0x0  }
0xa9: {  	[sflag:s23] =	ssyncadd.s32 s10;
	_ =	sdelay $0x1  }
0xaa: {  	s24 =	simm.s32 $0x1B8B  }
0xab: {  	_ =	swait.ge [sflag:s24], $0x1  }
0xac: {  	[sflag:s24] =	ssyncset.done $0x0  }
0xad: {  	s25 =	simm.s32 $0x1B8E;
	[sflag:s24] =	ssyncadd.s32 $0xFFFFFFFF  }
0xae: {  	s26 =	simm.s32 $execute0_lowered;
	[smem:$0x3FD2] =	sst s25  }
0xaf: {  	s10 =	sshll.u32 s26, $0x1;
	_ =	strace $0x80000046;
	[dreg:$0x1] =	wrdreg $0xFFFFFFFF  }
0xb0: {  	s28 =	simm.s32 $_size_execute0_lowered;
	s9 =	sadd.s32 s9, s10;
	[dreg:$0x0] =	wrdreg $0x0  }
0xb1: {  	s10 =	sshll.u32 s28, $0x1;
	[dreg:$0x2] =	wrdreg s9  }
0xb2: {  	[dreg:$0x3] =	wrdreg s10  }
0xb3: {  	[dreg:$0x4] =	wrdreg $0xC0  }
0xb4: {  	_ =	task [dreg:s13], $0x5FFFF  }
0xb5: {  	[dreg:$0x1] =	wrdreg $0xFFFFFFFF  }
0xb6: {  	[dreg:$0x0] =	wrdreg $0x60  }
0xb7: {  	[dreg:$0x2] =	wrdreg s2  }
0xb8: {  	[dreg:$0x3] =	wrdreg s4  }
0xb9: {  	[dreg:$0x4] =	wrdreg s5  }
0xba: {  	[dreg:$0x5] =	wrdreg s6  }
0xbb: {  	[dreg:$0x6] =	wrdreg s17  }
0xbc: {  	[dreg:$0x7] =	wrdreg s18  }
0xbd: {  	[dreg:$0x8] =	wrdreg s19  }
0xbe: {  	[dreg:$0x9] =	wrdreg $0x9  }
0xbf: {  	_ =	task.clear_ibuf [dreg:s13], $0xAFFFF;
	_ =	strace $0x90000046  }
0xc0: {  	s29 =	simm.s32 $0x9;
	_ =	strace $0x80000048  }
0xc1: {  	_ =	swait.ge [sflag:s29], $0x1  }
0xc2: {  	[sflag:s29] =	ssyncadd.s32 $0xFFFFFFFF  }
0xc3: {  	_ =	strace $0x90000048  }
0xc4: {  	_ =	sfence  }
0xc5: {  	s30 =	sld [smem:$0x0];
	_ =	sdelay $0x2  }
0xc6: {  	s31 =	sshll.u32 s1, $0xD;
	s1 =	sshrl.u32 s1, $0x2  }
0xc7: {  	s3 =	sand.u32 $0x4000, s31;
	s1 =	sadd.s32 s1, s30  }
0xc8: {  	s0 =	sor.u32 s3, s0;
	s1 =	sshll.u32 s1, $0x11  }
0xc9: {  	s0 =	sor.u32 s1, s0  }
0xca: {  	s0 =	sadd.s32 $0x8F2B, s0  }
0xcb: {  	[sflag:s0] =	ssyncadd.remote.s32 $0x1  }
0xcc: {  	_ =	sfence.sel $0xFFFF  }
0xcd: {  	[dreg:$0x0] =	wrdreg $0xFFFFFFFF;
	(pc) =	sbr.abs _section_cstart, $3  }
0xce: {  	[dreg:$0x1] =	wrdreg $0xFFFFFFFF  }
0xcf: {  	_ =	task.clear_ibuf [dreg:s13], $0x2FFFF;
	_ =	strace $0x9FFFFFFF  }
0xd0: {  	(tm) =	ssettm $0x7FFFFFFF  }
0xd1: {  	_ =	shalt  }
tec
execute0_lowered:
.L_overlay_start_1:
0x0: {  	(tag) =	ssettag $0x1  }
0x1: {  	s0 =	rddreg [dreg:$0x0]  }
0x2: {  	s1 =	rddreg [dreg:$0x1]  }
0x3: {  	s7 =	rddreg [dreg:$0x2]  }
0x4: {  	s2 =	rddreg [dreg:$0x3]  }
0x5: {  	s4 =	rddreg [dreg:$0x4]  }
0x6: {  	s5 =	rddreg [dreg:$0x5]  }
0x7: {  	s3 =	srdreg.scid;
	s8 =	rddreg [dreg:$0x6]  }
0x8: {  	s11 =	stileid.u32;
	s20 =	rddreg [dreg:$0x7];
	s17 =	simm.s32 $0x400  }
0x9: {  	s29 =	simm.s32 $0x100;
	s30 =	simm.s32 $0x8400;
	s31 =	simm.s32 $0x180  }
0xa: {  	s28 =	simm.s32 $0xC400;
	s13 =	simm.s32 $0x10400;
	s26 =	simm.s32 $0x280  }
0xb: {  	s15 =	simm.s32 $0x3;
	s14 =	simm.s32 $0x4;
	p0 =	por $0x0, $0x0  }
0xc: {  	s21 =	simm.s32 $0x380;
	s18 =	simm.s32 $0x5;
	s6 =	sand.u32 $0x1, s3  }
0xd: {  	s16 =	simm.s32 $0x6;
	s3 =	sshll.u32 s6, $0x4;
	s6 =	ssub.s32 $0x2, s6  }
0xe: {  	s9 =	sor.u32 s11, s3;
	s3 =	simm.s32 $0x0;
	s11 =	sshll.u32 s11, $0x6  }
0xf: {  	s23 =	sshrl.u32 s6, $0x1;
	s10 =	sshll.u32 s9, $0x6;
	[smem:$0x7FF] =	sst s3  }
0x10: {  	s11 =	sand.u32 $0x40, s11;
	s9 =	sshll.u32 s9, $0xD;
	s10 =	sand.u32 $0x780, s10  }
0x11: {  	_ =	strace $0x80000047;
	s19 =	sadd.s32 s8, s9;
	s10 =	sor.u32 s11, s10  }
0x12: {  	s12 =	sadd.s32 s5, s9;
	s22 =	sadd.s32 s1, s10;
	s1 =	ssub.s32 s6, s23  }
0x13: {  	s8 =	simm.s32 $0x7;
	s24 =	sadd.s32 $0x800, s19;
	s25 =	smax.u32 s1, $0x1  }
0x14: {  	s11 =	sadd.s32 s4, s9;
	s5 =	sadd.s32 $0x1000, s19;
	p1 =	sne.s32 s25, $0x1  }
.Ltmp0:
0x15: {  	s4 =	sadd.s32 $0x1800, s19;
	s9 =	simm.s32 $0x80;
	(pc) =	sbr.rel @!p1 .LBB2_1-.Ltmp0, $4  }
0x16: {  	s0 =	sadd.s32 s0, s10;
	[dreg:$0xa] =	wrdreg s24;
	s23 =	simm.s32 $0x200  }
0x17: {  	s24 =	simm.s32 $0x1;
	s10 =	simm.s32 $0x14400;
	[dreg:$0x8] =	wrdreg s0  }
0x18: {  	s6 =	simm.s32 $0x8;
	[dreg:$0x9] =	wrdreg s22;
	s22 =	simm.s32 $0x2  }
0x19: {  	s0 =	sadd.s32 $0xFFFFFFFF, s25;
	s25 =	simm.s32 $0x300;
	s1 =	rddreg [dreg:$0x8]  }
0x1a: {  	[tilespmem:s3], [sflag:$0x1] =	stream.linear.gather [hbm4b:s1+s3], $0x200, $0x38;
	[tilespmem:$0x18400] =	vst v63  }
0x1b: {  	s20 =	smov.u32 s0;
	s0 =	rddreg [dreg:$0x9]  }
0x1c: {  	[tilespmem:s23], [sflag:$0x1] =	stream.linear.gather [hbm4b:s0+s3], $0x200, $0x38;
	[tilespmem:$0x18400] =	vst v63  }
0x1d: {  	_ =	swait.ge [sflag:s24], $0x200  }
0x1e: {  	[sflag:s24] =	ssyncset.done $0x0  }
0x1f: {  	[sflag:s24] =	ssyncadd.s32 $0xFFFFFE00  }
0x20: {  	[tilespmem:s17], [sflag:$0x2] =	stream.indirect.gather [hbm4b:s7+s9], $0x80, s3, s9, $0xb8;
	[tilespmem:$0x18400] =	vst v63  }
0x21: {  	s1 =	simm.s32 $0x4400  }
0x22: {  	[tilespmem:s1], [sflag:$0x2] =	stream.indirect.gather [hbm4b:s7+s9], $0x80, s9, s9, $0xb8;
	[tilespmem:$0x18400] =	vst v63  }
0x23: {  	_ = 	snop  }
0x24: {  	[tilespmem:s30], [sflag:$0x2] =	stream.indirect.gather [hbm4b:s7+s9], $0x80, s29, s9, $0xb8;
	[tilespmem:$0x18400] =	vst v63  }
0x25: {  	_ = 	snop  }
0x26: {  	[tilespmem:s28], [sflag:$0x2] =	stream.indirect.gather [hbm4b:s7+s9], $0x80, s31, s9, $0xb8;
	[tilespmem:$0x18400] =	vst v63  }
0x27: {  	_ =	swait.ge [sflag:s24], $0x200  }
0x28: {  	[sflag:s24] =	ssyncset.done $0x0  }
0x29: {  	[sflag:s24] =	ssyncadd.s32 $0xFFFFFE00  }
0x2a: {  	[tilespmem:s13], [sflag:$0x3] =	stream.indirect.gather [hbm4b:s2+s9], $0x80, s23, s9, $0xb8;
	[tilespmem:$0x18400] =	vst v63  }
0x2b: {  	_ = 	snop  }
0x2c: {  	[tilespmem:s10], [sflag:$0x4] =	stream.indirect.gather [hbm4b:s2+s9], $0x80, s26, s9, $0xb8;
	[tilespmem:$0x18400] =	vst v63  }
0x2d: {  	_ =	swait.ge [sflag:s15], $0x4000  }
0x2e: {  	[sflag:s15] =	ssyncset.done $0x0  }
0x2f: {  	[sflag:s15] =	ssyncadd.s32 $0xFFFFC000  }
0x30: {  	[hbm4b:s19+s3] =	stream.linear.scatter [tilespmem:s13], [sflag:$0x7], $0x4000, $0x38;
	[tilespmem:$0x18400] =	vst v63  }
0x31: {  	_ =	swait.ge [sflag:s14], $0x4000  }
0x32: {  	[sflag:s14] =	ssyncset.done $0x0  }
0x33: {  	s1 =	rddreg [dreg:$0xa];
	[sflag:s14] =	ssyncadd.s32 $0xFFFFC000  }
0x34: {  	[hbm4b:s1+s3] =	stream.linear.scatter [tilespmem:s10], [sflag:$0x8], $0x4000, $0x38;
	[tilespmem:$0x18400] =	vst v63  }
0x35: {  	_ =	swait.ge [sflag:s22], $0x4000  }
0x36: {  	[sflag:s22] =	ssyncset.done $0x0  }
0x37: {  	[sflag:s22] =	ssyncadd.s32 $0xFFFFC000  }
0x38: {  	_ =	swait.ge [sflag:s22], $0x4000  }
0x39: {  	[sflag:s22] =	ssyncset.done $0x0  }
0x3a: {  	[sflag:s22] =	ssyncadd.s32 $0xFFFFC000  }
0x3b: {  	_ =	swait.ge [sflag:s22], $0x4000  }
0x3c: {  	[sflag:s22] =	ssyncset.done $0x0  }
0x3d: {  	[sflag:s22] =	ssyncadd.s32 $0xFFFFC000  }
0x3e: {  	_ =	swait.ge [sflag:s22], $0x4000  }
0x3f: {  	[sflag:s22] =	ssyncset.done $0x0  }
0x40: {  	[sflag:s22] =	ssyncadd.s32 $0xFFFFC000  }
0x41: {  	[hbm4b:s11+s3] =	stream.linear.scatter [tilespmem:s17], [sflag:$0x5], $0x10000, $0x38;
	[tilespmem:$0x18400] =	vst v63  }
0x42: {  	_ = 	snop  }
0x43: {  	[hbm4b:s12+s3] =	stream.linear.scatter [tilespmem:s17], [sflag:$0x6], $0x10000, $0x38;
	[tilespmem:$0x18400] =	vst v63  }
0x44: {  	_ =	swait.ge [sflag:s8], $0x4000  }
0x45: {  	[sflag:s8] =	ssyncset.done $0x0  }
0x46: {  	[sflag:s8] =	ssyncadd.s32 $0xFFFFC000  }
0x47: {  	[tilespmem:s13], [sflag:$0x3] =	stream.indirect.gather [hbm4b:s2+s9], $0x80, s25, s9, $0xb8;
	[tilespmem:$0x18400] =	vst v63  }
0x48: {  	_ =	swait.ge [sflag:s6], $0x4000  }
0x49: {  	[sflag:s6] =	ssyncset.done $0x0  }
0x4a: {  	[sflag:s6] =	ssyncadd.s32 $0xFFFFC000  }
0x4b: {  	[tilespmem:s10], [sflag:$0x4] =	stream.indirect.gather [hbm4b:s2+s9], $0x80, s21, s9, $0xb8;
	[tilespmem:$0x18400] =	vst v63  }
0x4c: {  	_ =	swait.ge [sflag:s15], $0x4000  }
0x4d: {  	[sflag:s15] =	ssyncset.done $0x0  }
0x4e: {  	[sflag:s15] =	ssyncadd.s32 $0xFFFFC000  }
0x4f: {  	[hbm4b:s5+s3] =	stream.linear.scatter [tilespmem:s13], [sflag:$0x7], $0x4000, $0x38;
	[tilespmem:$0x18400] =	vst v63  }
0x50: {  	_ =	swait.ge [sflag:s14], $0x4000  }
0x51: {  	[sflag:s14] =	ssyncset.done $0x0  }
0x52: {  	[sflag:s14] =	ssyncadd.s32 $0xFFFFC000  }
0x53: {  	[hbm4b:s4+s3] =	stream.linear.scatter [tilespmem:s10], [sflag:$0x8], $0x4000, $0x38;
	[tilespmem:$0x18400] =	vst v63  }
0x54: {  	_ =	swait.ge [sflag:s18], $0x10000  }
0x55: {  	[sflag:s18] =	ssyncset.done $0x0  }
0x56: {  	[sflag:s18] =	ssyncadd.s32 $0xFFFF0000  }
0x57: {  	_ =	swait.ge [sflag:s16], $0x10000  }
0x58: {  	[sflag:s16] =	ssyncset.done $0x0  }
0x59: {  	p1 =	sne.s32 s20, $0x1;
	[sflag:s16] =	ssyncadd.s32 $0xFFFF0000  }
.Ltmp1:
0x5a: {  	_ =	swait.ge [sflag:s8], $0x4000;
	(pc) =	sbr.rel @!p1 .LBB2_3-.Ltmp1, $4  }
0x5b: {  	[sflag:s8] =	ssyncset.done $0x0  }
0x5c: {  	[sflag:s8] =	ssyncadd.s32 $0xFFFFC000  }
0x5d: {  	p0 =	por $0x1, $0x1;
	_ =	swait.ge [sflag:s6], $0x4000  }
0x5e: {  	s0 =	sadd.s32 $0xFFFFFFFF, s20;
	s1 =	rddreg [dreg:$0x8];
	[sflag:s6] =	ssyncset.done $0x0  }
.LBB2_4:
0x5f: {  	[sflag:s6] =	ssyncadd.s32 $0xFFFFC000  }
0x60: {  	[tilespmem:s3], [sflag:$0x1] =	stream.linear.gather [hbm4b:s1+s3], $0x200, $0x38;
	[tilespmem:$0x18400] =	vst v63  }
0x61: {  	s20 =	rddreg [dreg:$0x9]  }
0x62: {  	[tilespmem:s23], [sflag:$0x1] =	stream.linear.gather [hbm4b:s20+s3], $0x200, $0x38;
	[tilespmem:$0x18400] =	vst v63  }
0x63: {  	_ =	swait.ge [sflag:s24], $0x200  }
0x64: {  	[sflag:s24] =	ssyncset.done $0x0  }
0x65: {  	[sflag:s24] =	ssyncadd.s32 $0xFFFFFE00  }
0x66: {  	[tilespmem:s17], [sflag:$0x2] =	stream.indirect.gather [hbm4b:s7+s9], $0x80, s3, s9, $0xb8;
	[tilespmem:$0x18400] =	vst v63  }
0x67: {  	s20 =	simm.s32 $0x4400  }
0x68: {  	[tilespmem:s20], [sflag:$0x2] =	stream.indirect.gather [hbm4b:s7+s9], $0x80, s9, s9, $0xb8;
	[tilespmem:$0x18400] =	vst v63  }
0x69: {  	_ = 	snop  }
0x6a: {  	[tilespmem:s30], [sflag:$0x2] =	stream.indirect.gather [hbm4b:s7+s9], $0x80, s29, s9, $0xb8;
	[tilespmem:$0x18400] =	vst v63  }
0x6b: {  	_ = 	snop  }
0x6c: {  	[tilespmem:s28], [sflag:$0x2] =	stream.indirect.gather [hbm4b:s7+s9], $0x80, s31, s9, $0xb8;
	[tilespmem:$0x18400] =	vst v63  }
0x6d: {  	_ =	swait.ge [sflag:s24], $0x200  }
0x6e: {  	[sflag:s24] =	ssyncset.done $0x0  }
0x6f: {  	[sflag:s24] =	ssyncadd.s32 $0xFFFFFE00  }
0x70: {  	[tilespmem:s13], [sflag:$0x3] =	stream.indirect.gather [hbm4b:s2+s9], $0x80, s23, s9, $0xb8;
	[tilespmem:$0x18400] =	vst v63  }
0x71: {  	_ = 	snop  }
0x72: {  	[tilespmem:s10], [sflag:$0x4] =	stream.indirect.gather [hbm4b:s2+s9], $0x80, s26, s9, $0xb8;
	[tilespmem:$0x18400] =	vst v63  }
0x73: {  	_ =	swait.ge [sflag:s15], $0x4000  }
0x74: {  	[sflag:s15] =	ssyncset.done $0x0  }
0x75: {  	[sflag:s15] =	ssyncadd.s32 $0xFFFFC000  }
0x76: {  	[hbm4b:s19+s3] =	stream.linear.scatter [tilespmem:s13], [sflag:$0x7], $0x4000, $0x38;
	[tilespmem:$0x18400] =	vst v63  }
0x77: {  	_ =	swait.ge [sflag:s14], $0x4000  }
0x78: {  	[sflag:s14] =	ssyncset.done $0x0  }
0x79: {  	s20 =	rddreg [dreg:$0xa];
	[sflag:s14] =	ssyncadd.s32 $0xFFFFC000  }
0x7a: {  	[hbm4b:s20+s3] =	stream.linear.scatter [tilespmem:s10], [sflag:$0x8], $0x4000, $0x38;
	[tilespmem:$0x18400] =	vst v63  }
0x7b: {  	_ =	swait.ge [sflag:s22], $0x4000  }
0x7c: {  	[sflag:s22] =	ssyncset.done $0x0  }
0x7d: {  	[sflag:s22] =	ssyncadd.s32 $0xFFFFC000  }
0x7e: {  	_ =	swait.ge [sflag:s22], $0x4000  }
0x7f: {  	[sflag:s22] =	ssyncset.done $0x0  }
0x80: {  	[sflag:s22] =	ssyncadd.s32 $0xFFFFC000  }
0x81: {  	_ =	swait.ge [sflag:s22], $0x4000  }
0x82: {  	[sflag:s22] =	ssyncset.done $0x0  }
0x83: {  	[sflag:s22] =	ssyncadd.s32 $0xFFFFC000  }
0x84: {  	_ =	swait.ge [sflag:s22], $0x4000  }
0x85: {  	[sflag:s22] =	ssyncset.done $0x0  }
0x86: {  	[sflag:s22] =	ssyncadd.s32 $0xFFFFC000  }
0x87: {  	[hbm4b:s11+s3] =	stream.linear.scatter [tilespmem:s17], [sflag:$0x5], $0x10000, $0x38;
	[tilespmem:$0x18400] =	vst v63  }
0x88: {  	_ = 	snop  }
0x89: {  	[hbm4b:s12+s3] =	stream.linear.scatter [tilespmem:s17], [sflag:$0x6], $0x10000, $0x38;
	[tilespmem:$0x18400] =	vst v63  }
0x8a: {  	_ =	swait.ge [sflag:s8], $0x4000  }
0x8b: {  	[sflag:s8] =	ssyncset.done $0x0  }
0x8c: {  	[sflag:s8] =	ssyncadd.s32 $0xFFFFC000  }
0x8d: {  	[tilespmem:s13], [sflag:$0x3] =	stream.indirect.gather [hbm4b:s2+s9], $0x80, s25, s9, $0xb8;
	[tilespmem:$0x18400] =	vst v63  }
0x8e: {  	_ =	swait.ge [sflag:s6], $0x4000  }
0x8f: {  	[sflag:s6] =	ssyncset.done $0x0  }
0x90: {  	[sflag:s6] =	ssyncadd.s32 $0xFFFFC000  }
0x91: {  	[tilespmem:s10], [sflag:$0x4] =	stream.indirect.gather [hbm4b:s2+s9], $0x80, s21, s9, $0xb8;
	[tilespmem:$0x18400] =	vst v63  }
0x92: {  	_ =	swait.ge [sflag:s15], $0x4000  }
0x93: {  	[sflag:s15] =	ssyncset.done $0x0  }
0x94: {  	[sflag:s15] =	ssyncadd.s32 $0xFFFFC000  }
0x95: {  	[hbm4b:s5+s3] =	stream.linear.scatter [tilespmem:s13], [sflag:$0x7], $0x4000, $0x38;
	[tilespmem:$0x18400] =	vst v63  }
0x96: {  	_ =	swait.ge [sflag:s14], $0x4000  }
0x97: {  	[sflag:s14] =	ssyncset.done $0x0  }
0x98: {  	[sflag:s14] =	ssyncadd.s32 $0xFFFFC000  }
0x99: {  	[hbm4b:s4+s3] =	stream.linear.scatter [tilespmem:s10], [sflag:$0x8], $0x4000, $0x38;
	[tilespmem:$0x18400] =	vst v63  }
0x9a: {  	_ =	swait.ge [sflag:s18], $0x10000  }
0x9b: {  	[sflag:s18] =	ssyncset.done $0x0  }
0x9c: {  	[sflag:s18] =	ssyncadd.s32 $0xFFFF0000  }
0x9d: {  	_ =	swait.ge [sflag:s16], $0x10000  }
0x9e: {  	[sflag:s16] =	ssyncset.done $0x0  }
0x9f: {  	p1 =	sne.s32 s0, $0x1;
	[sflag:s16] =	ssyncadd.s32 $0xFFFF0000  }
.Ltmp2:
0xa0: {  	_ =	swait.ge [sflag:s8], $0x4000;
	(pc) =	sbr.rel @p1 .LBB2_4-.Ltmp2, $4  }
0xa1: {  	[sflag:s8] =	ssyncset.done $0x0  }
0xa2: {  	[sflag:s8] =	ssyncadd.s32 $0xFFFFC000  }
0xa3: {  	_ =	swait.ge [sflag:s6], $0x4000  }
0xa4: {  	s0 =	sadd.s32 $0xFFFFFFFF, s0;
	s1 =	rddreg [dreg:$0x8];
	[sflag:s6] =	ssyncset.done $0x0  }
0xa5: {  	s21 =	simm.s32 $0xC400;
	s31 =	simm.s32 $0x180  }
0xa6: {  	s30 =	simm.s32 $0x8400;
	s29 =	simm.s32 $0x100;
	s28 =	simm.s32 $0x4400  }
0xa7: {  	s26 =	simm.s32 $0x280;
	s25 =	simm.s32 $0x300;
	s20 =	rddreg [dreg:$0x7]  }
.LBB2_6:
0xa8: {  	[sflag:s6] =	ssyncadd.s32 @p0 $0xFFFFC000  }
0xa9: {  	[tilespmem:s3], [sflag:$0x1] =	stream.linear.gather [hbm4b:s1+s3], $0x200, $0x38;
	[tilespmem:$0x18400] =	vst v63  }
0xaa: {  	s0 =	rddreg [dreg:$0x9]  }
0xab: {  	[tilespmem:s23], [sflag:$0x1] =	stream.linear.gather [hbm4b:s0+s3], $0x200, $0x38;
	[tilespmem:$0x18400] =	vst v63  }
0xac: {  	_ =	swait.ge [sflag:s24], $0x200  }
0xad: {  	[sflag:s24] =	ssyncset.done $0x0  }
0xae: {  	[sflag:s24] =	ssyncadd.s32 $0xFFFFFE00  }
0xaf: {  	[tilespmem:s17], [sflag:$0x2] =	stream.indirect.gather [hbm4b:s7+s9], $0x80, s3, s9, $0xb8;
	[tilespmem:$0x18400] =	vst v63  }
0xb0: {  	_ = 	snop  }
0xb1: {  	[tilespmem:s28], [sflag:$0x2] =	stream.indirect.gather [hbm4b:s7+s9], $0x80, s9, s9, $0xb8;
	[tilespmem:$0x18400] =	vst v63  }
0xb2: {  	_ = 	snop  }
0xb3: {  	[tilespmem:s30], [sflag:$0x2] =	stream.indirect.gather [hbm4b:s7+s9], $0x80, s29, s9, $0xb8;
	[tilespmem:$0x18400] =	vst v63  }
0xb4: {  	_ = 	snop  }
0xb5: {  	[tilespmem:s21], [sflag:$0x2] =	stream.indirect.gather [hbm4b:s7+s9], $0x80, s31, s9, $0xb8;
	[tilespmem:$0x18400] =	vst v63  }
0xb6: {  	_ =	swait.ge [sflag:s24], $0x200  }
0xb7: {  	[sflag:s24] =	ssyncset.done $0x0  }
0xb8: {  	[sflag:s24] =	ssyncadd.s32 $0xFFFFFE00  }
0xb9: {  	[tilespmem:s13], [sflag:$0x3] =	stream.indirect.gather [hbm4b:s2+s9], $0x80, s23, s9, $0xb8;
	[tilespmem:$0x18400] =	vst v63  }
0xba: {  	_ = 	snop  }
0xbb: {  	[tilespmem:s10], [sflag:$0x4] =	stream.indirect.gather [hbm4b:s2+s9], $0x80, s26, s9, $0xb8;
	[tilespmem:$0x18400] =	vst v63  }
0xbc: {  	_ =	swait.ge [sflag:s15], $0x4000  }
0xbd: {  	[sflag:s15] =	ssyncset.done $0x0  }
0xbe: {  	[sflag:s15] =	ssyncadd.s32 $0xFFFFC000  }
0xbf: {  	[hbm4b:s19+s3] =	stream.linear.scatter [tilespmem:s13], [sflag:$0x7], $0x4000, $0x38;
	[tilespmem:$0x18400] =	vst v63  }
0xc0: {  	_ =	swait.ge [sflag:s14], $0x4000  }
0xc1: {  	[sflag:s14] =	ssyncset.done $0x0  }
0xc2: {  	s29 =	rddreg [dreg:$0xa];
	[sflag:s14] =	ssyncadd.s32 $0xFFFFC000  }
0xc3: {  	[hbm4b:s29+s3] =	stream.linear.scatter [tilespmem:s10], [sflag:$0x8], $0x4000, $0x38;
	[tilespmem:$0x18400] =	vst v63  }
0xc4: {  	_ =	swait.ge [sflag:s22], $0x4000  }
0xc5: {  	[sflag:s22] =	ssyncset.done $0x0  }
0xc6: {  	[sflag:s22] =	ssyncadd.s32 $0xFFFFC000  }
0xc7: {  	_ =	swait.ge [sflag:s22], $0x4000  }
0xc8: {  	[sflag:s22] =	ssyncset.done $0x0  }
0xc9: {  	[sflag:s22] =	ssyncadd.s32 $0xFFFFC000  }
0xca: {  	_ =	swait.ge [sflag:s22], $0x4000  }
0xcb: {  	[sflag:s22] =	ssyncset.done $0x0  }
0xcc: {  	[sflag:s22] =	ssyncadd.s32 $0xFFFFC000  }
0xcd: {  	_ =	swait.ge [sflag:s22], $0x4000  }
0xce: {  	[sflag:s22] =	ssyncset.done $0x0  }
0xcf: {  	[sflag:s22] =	ssyncadd.s32 $0xFFFFC000  }
0xd0: {  	[hbm4b:s11+s3] =	stream.linear.scatter [tilespmem:s17], [sflag:$0x5], $0x10000, $0x38;
	[tilespmem:$0x18400] =	vst v63  }
0xd1: {  	_ = 	snop  }
0xd2: {  	[hbm4b:s12+s3] =	stream.linear.scatter [tilespmem:s17], [sflag:$0x6], $0x10000, $0x38;
	[tilespmem:$0x18400] =	vst v63  }
0xd3: {  	_ =	swait.ge [sflag:s8], $0x4000  }
0xd4: {  	[sflag:s8] =	ssyncset.done $0x0  }
0xd5: {  	[sflag:s8] =	ssyncadd.s32 $0xFFFFC000  }
0xd6: {  	[tilespmem:s13], [sflag:$0x3] =	stream.indirect.gather [hbm4b:s2+s9], $0x80, s25, s9, $0xb8;
	[tilespmem:$0x18400] =	vst v63  }
0xd7: {  	_ =	swait.ge [sflag:s6], $0x4000  }
0xd8: {  	[sflag:s6] =	ssyncset.done $0x0  }
0xd9: {  	s30 =	simm.s32 $0x380;
	[sflag:s6] =	ssyncadd.s32 $0xFFFFC000  }
0xda: {  	[tilespmem:s10], [sflag:$0x4] =	stream.indirect.gather [hbm4b:s2+s9], $0x80, s30, s9, $0xb8;
	[tilespmem:$0x18400] =	vst v63  }
0xdb: {  	_ =	swait.ge [sflag:s15], $0x4000  }
0xdc: {  	[sflag:s15] =	ssyncset.done $0x0  }
0xdd: {  	[sflag:s15] =	ssyncadd.s32 $0xFFFFC000  }
0xde: {  	[hbm4b:s5+s3] =	stream.linear.scatter [tilespmem:s13], [sflag:$0x7], $0x4000, $0x38;
	[tilespmem:$0x18400] =	vst v63  }
0xdf: {  	_ =	swait.ge [sflag:s14], $0x4000  }
0xe0: {  	[sflag:s14] =	ssyncset.done $0x0  }
0xe1: {  	[sflag:s14] =	ssyncadd.s32 $0xFFFFC000  }
0xe2: {  	[hbm4b:s4+s3] =	stream.linear.scatter [tilespmem:s10], [sflag:$0x8], $0x4000, $0x38;
	[tilespmem:$0x18400] =	vst v63  }
0xe3: {  	_ =	swait.ge [sflag:s18], $0x10000  }
0xe4: {  	[sflag:s18] =	ssyncset.done $0x0  }
0xe5: {  	[sflag:s18] =	ssyncadd.s32 $0xFFFF0000  }
0xe6: {  	_ =	swait.ge [sflag:s16], $0x10000  }
0xe7: {  	[sflag:s16] =	ssyncset.done $0x0  }
0xe8: {  	[sflag:s16] =	ssyncadd.s32 $0xFFFF0000  }
0xe9: {  	_ =	swait.ge [sflag:s8], $0x4000  }
0xea: {  	[sflag:s8] =	ssyncset.done $0x0  }
0xeb: {  	[sflag:s8] =	ssyncadd.s32 $0xFFFFC000  }
0xec: {  	_ =	swait.ge [sflag:s6], $0x4000  }
0xed: {  	[sflag:s6] =	ssyncset.done $0x0  }
0xee: {  	[sflag:s6] =	ssyncadd.s32 $0xFFFFC000  }
0xef: {  	_ =	sfence.sel $0x180000  }
0xf0: {  	s31 =	stileid.u32;
	[bflag:$0x0] =	sbarrier.arrive $0xFFFF  }
0xf1: {  	p0 =	sne.s32 s31, $0x0;
	_ =	strace $0x90000047  }
0xf2: {  	s0 =	sadd.s32 @!p0 $0x100000, s20;
	[bflag:$0x2] =	sbarrier.arrive $0xFFFF  }
0xf3: {  	[sflag:s0] =	ssyncadd.tile.s32 @!p0 $0x1;
	_ =	shalt  }
.LBB2_1:
.Ltmp3:
0xf4: {  	(pc) =	sbr.rel .LBB2_6-.Ltmp3, $4  }
0xf5: {  	_ = 	snop  }
0xf6: {  	s21 =	simm.s32 $0xC400  }
0xf7: {  	s31 =	simm.s32 $0x180;
	s30 =	simm.s32 $0x8400;
	s29 =	simm.s32 $0x100  }
0xf8: {  	s28 =	simm.s32 $0x4400;
	s26 =	simm.s32 $0x280;
	s25 =	simm.s32 $0x300  }
.LBB2_3:
.Ltmp4:
0xf9: {  	(pc) =	sbr.rel .LBB2_6-.Ltmp4, $4  }
0xfa: {  	_ = 	snop  }
0xfb: {  	s21 =	simm.s32 $0xC400;
	s31 =	simm.s32 $0x180  }
0xfc: {  	s30 =	simm.s32 $0x8400;
	s29 =	simm.s32 $0x100;
	s28 =	simm.s32 $0x4400  }
0xfd: {  	s26 =	simm.s32 $0x280;
	s25 =	simm.s32 $0x300;
	s20 =	rddreg [dreg:$0x7]  }
.Lfunc_end2:
_tile_overlayer_lowered:
.L_overlay_start_2:
0xfe: {  	(tag) =	ssettag $0x2  }
0xff: {  	s0 =	rddreg [dreg:$0x0];
	s2 =	stileid.u32  }
0x100: {  	s1 =	rddreg [dreg:$0x1];
	p0 =	sne.s32 s2, $0x0  }
0x101: {  	s3 =	rddreg [dreg:$0x2];
	[bflag:$0x3] =	sbarrier.arrive $0xFFFF;
	s2 =	simm.s32 @!p0 $0x1C09  }
0x102: {  	[timem:s3], [sflag:s2] =	dma.local @!p0 [hbm:s0], s1  }
0x103: {  	s0 =	simm.s32 @!p0 $0x9  }
0x104: {  	_ =	swait.ge @!p0 [sflag:s0], s1  }
0x105: {  	s1 =	ssub.s32 @!p0 $0x0, s1;
	[sflag:s0] =	ssyncset.done @!p0 $0x0  }
0x106: {  	[sflag:s0] =	ssyncadd.s32 @!p0 s1  }
0x107: {  	[bflag:$0x3] =	sbarrier.arrive $0xFFFF  }
0x108: {  	_ =	shalt  }

</sc_bundles>
